<compile_context>
chip_gen: v7x
topology: tpu7x:2x2x1
jax: 0.10.2.dev20260603
libtpu: 0.0.44.dev20260713+nightly
codegen_flags: <defaults>
</compile_context>

<pallas_src>
import functools

import jax
import jax.numpy as jnp
from jax import lax
from jax.experimental import pallas as pl
from jax.experimental.pallas import tpu as pltpu
from jax.experimental.pallas import tpu_sc as plsc

_F = 26
_V = 100000
_D = 16
_B = 16384
_R = _F * _D
_NC, _NS = 2, 16
_NW = _NC * _NS
_PR = _R // _NW
_OB = 2048
_L = 16
_UN = 8

_mesh = plsc.VectorSubcoreMesh(core_axis_name="c", subcore_axis_name="s")


@functools.partial(
    pl.kernel,
    mesh=_mesh,
    out_type=jax.ShapeDtypeStruct((_R, _B), jnp.float32),
    scratch_types=[
        pltpu.VMEM((_V,), jnp.float32),
        pltpu.VMEM((_B,), jnp.int32),
        pltpu.VMEM((2, _OB), jnp.float32),
        pltpu.SemaphoreType.DMA,
    ],
    compiler_params=pltpu.CompilerParams(needs_layout_passes=False),
)
def _row_gather(idx_hbm, tab_hbm, out_hbm, row_v, idx_v, outb_v, osem):
    wid = lax.axis_index("s") * _NC + lax.axis_index("c")
    r0 = wid * _PR
    nblk = _B // _OB

    def row(k, f_prev):
        r = r0 + k
        f = r // _D
        d = r % _D

        @pl.when(f != f_prev)
        def _():
            pltpu.sync_copy(idx_hbm.at[f], idx_v)

        pltpu.sync_copy(tab_hbm.at[f, d], row_v)

        for b in range(nblk):
            buf = b % 2
            if b >= 2:
                pltpu.make_async_copy(
                    outb_v.at[buf], out_hbm.at[r, pl.ds((b - 2) * _OB, _OB)],
                    osem,
                ).wait()

            @pl.loop(0, _OB // (_L * _UN))
            def step(i):
                base = b * _OB + i * (_L * _UN)
                obase = i * (_L * _UN)
                ivs = [idx_v[pl.ds(base + u * _L, _L)] for u in range(_UN)]
                gs = [plsc.load_gather(row_v, [iv]) for iv in ivs]
                for u in range(_UN):
                    outb_v[buf, pl.ds(obase + u * _L, _L)] = gs[u]

            pltpu.async_copy(
                outb_v.at[buf], out_hbm.at[r, pl.ds(b * _OB, _OB)], osem
            )

        for buf in range(2):
            pltpu.make_async_copy(
                outb_v.at[buf], out_hbm.at[r, pl.ds(0, _OB)], osem
            ).wait()
        return f

    lax.fori_loop(0, _PR, row, -1)


def kernel(onehots, tables):
    idx = onehots.astype(jnp.int32).T
    tab = tables.transpose(0, 2, 1)
    out = _row_gather(idx, tab)
    return out.T

# --- scband reference (transcript-rebuilt; emitter-appended) ---
"""Pipeline reference for scband-onehot-embedding-81767587381811 (READ-ONLY COPY).

The authoritative reference and input builder live on the scoring server;
editing this copy changes nothing except your own understanding.
"""

import jax, jax.numpy as jnp
import numpy as np

NUM_FIELDS = 26
VOCAB = 100000
DIM = 16
BATCH = 16384

def setup_inputs(seed: int = 0) -> dict:
    key = jax.random.key(seed)
    k_idx, k_tab = jax.random.split(key)
    onehots = jax.random.randint(k_idx, (BATCH, NUM_FIELDS), 0, VOCAB, dtype=jnp.int64 if jax.config.jax_enable_x64 else jnp.int32)
    # All 26 embedding tables share shape (VOCAB, DIM); stack for convenience.
    tables = jax.random.normal(k_tab, (NUM_FIELDS, VOCAB, DIM), dtype=jnp.float32) * 0.02
    return {"onehots": onehots, "tables": tables}

def reference(onehots, tables):
    # Faithful to OnehotEmbedding.forward: per-field embedding lookup then concat on last dim.
    outs = [jnp.take(tables[i], onehots[..., i], axis=0) for i in range(NUM_FIELDS)]
    return jnp.concatenate(outs, axis=-1)

if __name__ == "__main__":
    import jax
    _d = setup_inputs()
    print(jax.jit(kernel)(*tuple(_d.values())))

</pallas_src>

<mosaic_0001>
#map = affine_map<(d0, d1) -> (0, 0)>
#map1 = affine_map<(d0, d1) -> (0, 0, 0)>
module attributes {stable_mosaic.version = 14 : i64} {
  func.func @_row_gather(%arg0: i32, %arg1: i32, %arg2: memref<26x16384xi32, #tpu.memory_space<hbm>>, %arg3: memref<26x16x100000xf32, #tpu.memory_space<hbm>>, %arg4: memref<416x16384xf32, #tpu.memory_space<hbm>>, %arg5: memref<100000xf32, #tpu.memory_space<vmem>>, %arg6: memref<16384xi32, #tpu.memory_space<vmem>>, %arg7: memref<2x2048xf32, #tpu.memory_space<vmem>>, %arg8: memref<!tpu.dma_semaphore, #tpu.memory_space<semaphore_mem>>) attributes {dimension_semantics = [#tpu.dimension_semantics<core_parallel>, #tpu.dimension_semantics<subcore_parallel>], iteration_bounds = array<i64: 2, 16>, scalar_prefetch = 0 : i64, scratch_operands = 4 : i64, tpu.core_type = #tpu.core_type<sc_vector_subcore>, window_params = [{transform_indices = #map}, {transform_indices = #map1}, {transform_indices = #map}]} {
    %mul3A = arith.constant 2 : i32
    %mul3A_0 = arith.muli %arg1, %mul3A : i32
    %add3A = arith.addi %mul3A_0, %arg0 : i32
    %mul3A_1 = arith.constant 13 : i32
    %mul3A_2 = arith.muli %add3A, %mul3A_1 : i32
    %scan3A = arith.constant -1 : i32
    %scan3A_3 = arith.constant 0 : i32
    %scan3A_4 = arith.constant 13 : i32
    %scan3A_5 = arith.addi %scan3A_3, %scan3A_4 : i32
    %scan3A_6 = arith.constant 1 : i32
    %scan3A_7 = scf.for %scan3A_9 = %scan3A_3 to %scan3A_5 step %scan3A_6 iter_args(%scan3A_10 = %scan3A) -> (i32)  : i32 {
      %add3A_11 = arith.addi %mul3A_2, %scan3A_9 : i32
      %jit3A = arith.constant 16 : i32
      %div3A = arith.divsi %add3A_11, %jit3A : i32
      %sign3A = arith.constant 0 : i32
      %sign3A_12 = arith.cmpi sgt, %add3A_11, %sign3A : i32
      %sign3A_13 = arith.extui %sign3A_12 : i1 to i32
      %sign3A_14 = arith.constant 0 : i32
      %sign3A_15 = arith.cmpi slt, %add3A_11, %sign3A_14 : i32
      %sign3A_16 = arith.extui %sign3A_15 : i1 to i32
      %sign3A_17 = arith.subi %sign3A_13, %sign3A_16 : i32
      %sign3A_18 = arith.constant 0 : i32
      %sign3A_19 = arith.cmpi sgt, %jit3A, %sign3A_18 : i32
      %sign3A_20 = arith.extui %sign3A_19 : i1 to i32
      %sign3A_21 = arith.constant 0 : i32
      %sign3A_22 = arith.cmpi slt, %jit3A, %sign3A_21 : i32
      %sign3A_23 = arith.extui %sign3A_22 : i1 to i32
      %sign3A_24 = arith.subi %sign3A_20, %sign3A_23 : i32
      %ne3A = arith.cmpi ne, %sign3A_17, %sign3A_24 : i32
      %rem3A = arith.remsi %add3A_11, %jit3A : i32
      %ne3A_25 = arith.constant 0 : i32
      %ne3A_26 = arith.cmpi ne, %rem3A, %ne3A_25 : i32
      %and3A = arith.andi %ne3A, %ne3A_26 : i1
      %sub3A = arith.constant 1 : i32
      %sub3A_27 = arith.subi %div3A, %sub3A : i32
      %select_n3A = arith.select %and3A, %sub3A_27, %div3A : i32
      %jit3A_28 = arith.constant 16 : i32
      %eq3A = arith.constant 0 : i32
      %eq3A_29 = arith.cmpi eq, %jit3A_28, %eq3A : i32
      %jit3A_30 = arith.constant 1 : i32
      %select_n3A_31 = arith.select %eq3A_29, %jit3A_30, %jit3A_28 : i32
      %rem3A_32 = arith.remsi %add3A_11, %select_n3A_31 : i32
      %ne3A_33 = arith.constant 0 : i32
      %ne3A_34 = arith.cmpi ne, %rem3A_32, %ne3A_33 : i32
      %lt3A = arith.constant 0 : i32
      %lt3A_35 = arith.cmpi slt, %rem3A_32, %lt3A : i32
      %lt3A_36 = arith.constant 0 : i32
      %lt3A_37 = arith.cmpi slt, %select_n3A_31, %lt3A_36 : i32
      %ne3A_38 = arith.xori %lt3A_35, %lt3A_37 : i1
      %and3A_39 = arith.andi %ne3A_38, %ne3A_34 : i1
      %add3A_40 = arith.addi %rem3A_32, %select_n3A_31 : i32
      %select_n3A_41 = arith.select %and3A_39, %add3A_40, %rem3A_32 : i32
      %ne3A_42 = arith.cmpi ne, %select_n3A, %scan3A_10 : i32
      %convert_element_type3A = arith.extui %ne3A_42 : i1 to i32
      %cond3A = arith.constant 0 : i32
      %cond3A_43 = arith.cmpi ne, %convert_element_type3A, %cond3A : i32
      scf.if %cond3A_43 {
        "tpu.region"() ({
          %run_scoped3A = tpu.sem_alloc : memref<!tpu.dma_semaphore, #tpu.memory_space<semaphore_mem>>
          %dma_start3A_290 = arith.constant 0 : i32
          %dma_start3A_291 = tpu.memref_slice %arg2[%select_n3A, %dma_start3A_290] : memref<26x16384xi32, #tpu.memory_space<hbm>> -> memref<1x16384xi32, #tpu.memory_space<hbm>>
          %dma_start3A_292 = tpu.memref_squeeze %dma_start3A_291 : memref<1x16384xi32, #tpu.memory_space<hbm>> -> memref<16384xi32, #tpu.memory_space<hbm>>
          %dma_start3A_293 = arith.constant 0 : i32
          %dma_start3A_294 = tpu.memref_slice %arg2[%select_n3A, %dma_start3A_293] : memref<26x16384xi32, #tpu.memory_space<hbm>> -> memref<1x16384xi32, #tpu.memory_space<hbm>>
          %dma_start3A_295 = tpu.memref_squeeze %dma_start3A_294 : memref<1x16384xi32, #tpu.memory_space<hbm>> -> memref<16384xi32, #tpu.memory_space<hbm>>
          tpu.enqueue_dma source(%dma_start3A_295 : memref<16384xi32, #tpu.memory_space<hbm>>) target(%arg6 : memref<16384xi32, #tpu.memory_space<vmem>>) target_semaphore(%run_scoped3A : memref<!tpu.dma_semaphore, #tpu.memory_space<semaphore_mem>>)
          %dma_wait3A_296 = arith.constant 0 : i32
          %dma_wait3A_297 = tpu.memref_slice %arg2[%select_n3A, %dma_wait3A_296] : memref<26x16384xi32, #tpu.memory_space<hbm>> -> memref<1x16384xi32, #tpu.memory_space<hbm>>
          %dma_wait3A_298 = tpu.memref_squeeze %dma_wait3A_297 : memref<1x16384xi32, #tpu.memory_space<hbm>> -> memref<16384xi32, #tpu.memory_space<hbm>>
          %dma_wait3A_299 = arith.constant 0 : i32
          %dma_wait3A_300 = tpu.memref_slice %arg2[%select_n3A, %dma_wait3A_299] : memref<26x16384xi32, #tpu.memory_space<hbm>> -> memref<1x16384xi32, #tpu.memory_space<hbm>>
          %dma_wait3A_301 = tpu.memref_squeeze %dma_wait3A_300 : memref<1x16384xi32, #tpu.memory_space<hbm>> -> memref<16384xi32, #tpu.memory_space<hbm>>
          tpu.wait_dma2 semaphore(%run_scoped3A : memref<!tpu.dma_semaphore, #tpu.memory_space<semaphore_mem>>) src(%dma_wait3A_301 : memref<16384xi32, #tpu.memory_space<hbm>>) dst(%arg6 : memref<16384xi32, #tpu.memory_space<vmem>>)
          tpu.yield
        }) : () -> ()
      } else {
      }
      "tpu.region"() ({
        %run_scoped3A = tpu.sem_alloc : memref<!tpu.dma_semaphore, #tpu.memory_space<semaphore_mem>>
        %dma_start3A_290 = arith.constant 0 : i32
        %dma_start3A_291 = tpu.memref_slice %arg3[%select_n3A, %select_n3A_41, %dma_start3A_290] : memref<26x16x100000xf32, #tpu.memory_space<hbm>> -> memref<1x1x100000xf32, #tpu.memory_space<hbm>>
        %dma_start3A_292 = tpu.memref_squeeze %dma_start3A_291 : memref<1x1x100000xf32, #tpu.memory_space<hbm>> -> memref<100000xf32, #tpu.memory_space<hbm>>
        %dma_start3A_293 = arith.constant 0 : i32
        %dma_start3A_294 = tpu.memref_slice %arg3[%select_n3A, %select_n3A_41, %dma_start3A_293] : memref<26x16x100000xf32, #tpu.memory_space<hbm>> -> memref<1x1x100000xf32, #tpu.memory_space<hbm>>
        %dma_start3A_295 = tpu.memref_squeeze %dma_start3A_294 : memref<1x1x100000xf32, #tpu.memory_space<hbm>> -> memref<100000xf32, #tpu.memory_space<hbm>>
        tpu.enqueue_dma source(%dma_start3A_295 : memref<100000xf32, #tpu.memory_space<hbm>>) target(%arg5 : memref<100000xf32, #tpu.memory_space<vmem>>) target_semaphore(%run_scoped3A : memref<!tpu.dma_semaphore, #tpu.memory_space<semaphore_mem>>)
        %dma_wait3A_296 = arith.constant 0 : i32
        %dma_wait3A_297 = tpu.memref_slice %arg3[%select_n3A, %select_n3A_41, %dma_wait3A_296] : memref<26x16x100000xf32, #tpu.memory_space<hbm>> -> memref<1x1x100000xf32, #tpu.memory_space<hbm>>
        %dma_wait3A_298 = tpu.memref_squeeze %dma_wait3A_297 : memref<1x1x100000xf32, #tpu.memory_space<hbm>> -> memref<100000xf32, #tpu.memory_space<hbm>>
        %dma_wait3A_299 = arith.constant 0 : i32
        %dma_wait3A_300 = tpu.memref_slice %arg3[%select_n3A, %select_n3A_41, %dma_wait3A_299] : memref<26x16x100000xf32, #tpu.memory_space<hbm>> -> memref<1x1x100000xf32, #tpu.memory_space<hbm>>
        %dma_wait3A_301 = tpu.memref_squeeze %dma_wait3A_300 : memref<1x1x100000xf32, #tpu.memory_space<hbm>> -> memref<100000xf32, #tpu.memory_space<hbm>>
        tpu.wait_dma2 semaphore(%run_scoped3A : memref<!tpu.dma_semaphore, #tpu.memory_space<semaphore_mem>>) src(%dma_wait3A_301 : memref<100000xf32, #tpu.memory_space<hbm>>) dst(%arg5 : memref<100000xf32, #tpu.memory_space<vmem>>)
        tpu.yield
      }) : () -> ()
      %scan3A_44 = arith.constant 0 : i32
      %scan3A_45 = arith.constant 16 : i32
      %scan3A_46 = arith.addi %scan3A_44, %scan3A_45 : i32
      %scan3A_47 = arith.constant 1 : i32
      scf.for %scan3A_290 = %scan3A_44 to %scan3A_46 step %scan3A_47  : i32 {
        %mul3A_291 = arith.constant 1 : i32
        %mul3A_292 = arith.muli %scan3A_290, %mul3A_291 : i32
        %add3A_293 = arith.constant 0 : i32
        %add3A_294 = arith.addi %add3A_293, %mul3A_292 : i32
        %mul3A_295 = arith.constant 128 : i32
        %mul3A_296 = arith.muli %add3A_294, %mul3A_295 : i32
        %add3A_297 = arith.constant 0 : i32
        %add3A_298 = arith.addi %add3A_297, %mul3A_296 : i32
        %mul3A_299 = arith.constant 128 : i32
        %mul3A_300 = arith.muli %add3A_294, %mul3A_299 : i32
        %add3A_301 = arith.constant 0 : i32
        %add3A_302 = arith.addi %add3A_298, %add3A_301 : i32
        %get3A = arith.index_cast %add3A_302 : i32 to index
        %get3A_303 = tpu.vector_load %arg6[%get3A] {strides = array<i32>} : memref<16384xi32, #tpu.memory_space<vmem>>, vector<16xi32>,
        %add3A_304 = arith.constant 16 : i32
        %add3A_305 = arith.addi %add3A_298, %add3A_304 : i32
        %get3A_306 = arith.index_cast %add3A_305 : i32 to index
        %get3A_307 = tpu.vector_load %arg6[%get3A_306] {strides = array<i32>} : memref<16384xi32, #tpu.memory_space<vmem>>, vector<16xi32>,
        %add3A_308 = arith.constant 32 : i32
        %add3A_309 = arith.addi %add3A_298, %add3A_308 : i32
        %get3A_310 = arith.index_cast %add3A_309 : i32 to index
        %get3A_311 = tpu.vector_load %arg6[%get3A_310] {strides = array<i32>} : memref<16384xi32, #tpu.memory_space<vmem>>, vector<16xi32>,
        %add3A_312 = arith.constant 48 : i32
        %add3A_313 = arith.addi %add3A_298, %add3A_312 : i32
        %get3A_314 = arith.index_cast %add3A_313 : i32 to index
        %get3A_315 = tpu.vector_load %arg6[%get3A_314] {strides = array<i32>} : memref<16384xi32, #tpu.memory_space<vmem>>, vector<16xi32>,
        %add3A_316 = arith.constant 64 : i32
        %add3A_317 = arith.addi %add3A_298, %add3A_316 : i32
        %get3A_318 = arith.index_cast %add3A_317 : i32 to index
        %get3A_319 = tpu.vector_load %arg6[%get3A_318] {strides = array<i32>} : memref<16384xi32, #tpu.memory_space<vmem>>, vector<16xi32>,
        %add3A_320 = arith.constant 80 : i32
        %add3A_321 = arith.addi %add3A_298, %add3A_320 : i32
        %get3A_322 = arith.index_cast %add3A_321 : i32 to index
        %get3A_323 = tpu.vector_load %arg6[%get3A_322] {strides = array<i32>} : memref<16384xi32, #tpu.memory_space<vmem>>, vector<16xi32>,
        %add3A_324 = arith.constant 96 : i32
        %add3A_325 = arith.addi %add3A_298, %add3A_324 : i32
        %get3A_326 = arith.index_cast %add3A_325 : i32 to index
        %get3A_327 = tpu.vector_load %arg6[%get3A_326] {strides = array<i32>} : memref<16384xi32, #tpu.memory_space<vmem>>, vector<16xi32>,
        %add3A_328 = arith.constant 112 : i32
        %add3A_329 = arith.addi %add3A_298, %add3A_328 : i32
        %get3A_330 = arith.index_cast %add3A_329 : i32 to index
        %get3A_331 = tpu.vector_load %arg6[%get3A_330] {strides = array<i32>} : memref<16384xi32, #tpu.memory_space<vmem>>, vector<16xi32>,
        %gather3A = tpu.vector_load_idx %arg5[%get3A_303] : memref<100000xf32, #tpu.memory_space<vmem>>[vector<16xi32>], vector<16xf32>,
        %gather3A_332 = tpu.vector_load_idx %arg5[%get3A_307] : memref<100000xf32, #tpu.memory_space<vmem>>[vector<16xi32>], vector<16xf32>,
        %gather3A_333 = tpu.vector_load_idx %arg5[%get3A_311] : memref<100000xf32, #tpu.memory_space<vmem>>[vector<16xi32>], vector<16xf32>,
        %gather3A_334 = tpu.vector_load_idx %arg5[%get3A_315] : memref<100000xf32, #tpu.memory_space<vmem>>[vector<16xi32>], vector<16xf32>,
        %gather3A_335 = tpu.vector_load_idx %arg5[%get3A_319] : memref<100000xf32, #tpu.memory_space<vmem>>[vector<16xi32>], vector<16xf32>,
        %gather3A_336 = tpu.vector_load_idx %arg5[%get3A_323] : memref<100000xf32, #tpu.memory_space<vmem>>[vector<16xi32>], vector<16xf32>,
        %gather3A_337 = tpu.vector_load_idx %arg5[%get3A_327] : memref<100000xf32, #tpu.memory_space<vmem>>[vector<16xi32>], vector<16xf32>,
        %gather3A_338 = tpu.vector_load_idx %arg5[%get3A_331] : memref<100000xf32, #tpu.memory_space<vmem>>[vector<16xi32>], vector<16xf32>,
        %add3A_339 = arith.constant 0 : i32
        %add3A_340 = arith.addi %mul3A_300, %add3A_339 : i32
        %swap3A = arith.constant 0 : i32
        %swap3A_341 = arith.index_cast %swap3A : i32 to index
        %swap3A_342 = arith.index_cast %add3A_340 : i32 to index
        %swap3A_343 = tpu.vector_load %arg7[%swap3A_341, %swap3A_342] {strides = array<i32>} : memref<2x2048xf32, #tpu.memory_space<vmem>>, vector<16xf32>,
        tpu.vector_store %arg7[%swap3A_341, %swap3A_342], %gather3A {strides = array<i32>} : memref<2x2048xf32, #tpu.memory_space<vmem>>, vector<16xf32>,
        %add3A_344 = arith.constant 16 : i32
        %add3A_345 = arith.addi %mul3A_300, %add3A_344 : i32
        %swap3A_346 = arith.constant 0 : i32
        %swap3A_347 = arith.index_cast %swap3A_346 : i32 to index
        %swap3A_348 = arith.index_cast %add3A_345 : i32 to index
        %swap3A_349 = tpu.vector_load %arg7[%swap3A_347, %swap3A_348] {strides = array<i32>} : memref<2x2048xf32, #tpu.memory_space<vmem>>, vector<16xf32>,
        tpu.vector_store %arg7[%swap3A_347, %swap3A_348], %gather3A_332 {strides = array<i32>} : memref<2x2048xf32, #tpu.memory_space<vmem>>, vector<16xf32>,
        %add3A_350 = arith.constant 32 : i32
        %add3A_351 = arith.addi %mul3A_300, %add3A_350 : i32
        %swap3A_352 = arith.constant 0 : i32
        %swap3A_353 = arith.index_cast %swap3A_352 : i32 to index
        %swap3A_354 = arith.index_cast %add3A_351 : i32 to index
        %swap3A_355 = tpu.vector_load %arg7[%swap3A_353, %swap3A_354] {strides = array<i32>} : memref<2x2048xf32, #tpu.memory_space<vmem>>, vector<16xf32>,
        tpu.vector_store %arg7[%swap3A_353, %swap3A_354], %gather3A_333 {strides = array<i32>} : memref<2x2048xf32, #tpu.memory_space<vmem>>, vector<16xf32>,
        %add3A_356 = arith.constant 48 : i32
        %add3A_357 = arith.addi %mul3A_300, %add3A_356 : i32
        %swap3A_358 = arith.constant 0 : i32
        %swap3A_359 = arith.index_cast %swap3A_358 : i32 to index
        %swap3A_360 = arith.index_cast %add3A_357 : i32 to index
        %swap3A_361 = tpu.vector_load %arg7[%swap3A_359, %swap3A_360] {strides = array<i32>} : memref<2x2048xf32, #tpu.memory_space<vmem>>, vector<16xf32>,
        tpu.vector_store %arg7[%swap3A_359, %swap3A_360], %gather3A_334 {strides = array<i32>} : memref<2x2048xf32, #tpu.memory_space<vmem>>, vector<16xf32>,
        %add3A_362 = arith.constant 64 : i32
        %add3A_363 = arith.addi %mul3A_300, %add3A_362 : i32
        %swap3A_364 = arith.constant 0 : i32
        %swap3A_365 = arith.index_cast %swap3A_364 : i32 to index
        %swap3A_366 = arith.index_cast %add3A_363 : i32 to index
        %swap3A_367 = tpu.vector_load %arg7[%swap3A_365, %swap3A_366] {strides = array<i32>} : memref<2x2048xf32, #tpu.memory_space<vmem>>, vector<16xf32>,
        tpu.vector_store %arg7[%swap3A_365, %swap3A_366], %gather3A_335 {strides = array<i32>} : memref<2x2048xf32, #tpu.memory_space<vmem>>, vector<16xf32>,
        %add3A_368 = arith.constant 80 : i32
        %add3A_369 = arith.addi %mul3A_300, %add3A_368 : i32
        %swap3A_370 = arith.constant 0 : i32
        %swap3A_371 = arith.index_cast %swap3A_370 : i32 to index
        %swap3A_372 = arith.index_cast %add3A_369 : i32 to index
        %swap3A_373 = tpu.vector_load %arg7[%swap3A_371, %swap3A_372] {strides = array<i32>} : memref<2x2048xf32, #tpu.memory_space<vmem>>, vector<16xf32>,
        tpu.vector_store %arg7[%swap3A_371, %swap3A_372], %gather3A_336 {strides = array<i32>} : memref<2x2048xf32, #tpu.memory_space<vmem>>, vector<16xf32>,
        %add3A_374 = arith.constant 96 : i32
        %add3A_375 = arith.addi %mul3A_300, %add3A_374 : i32
        %swap3A_376 = arith.constant 0 : i32
        %swap3A_377 = arith.index_cast %swap3A_376 : i32 to index
        %swap3A_378 = arith.index_cast %add3A_375 : i32 to index
        %swap3A_379 = tpu.vector_load %arg7[%swap3A_377, %swap3A_378] {strides = array<i32>} : memref<2x2048xf32, #tpu.memory_space<vmem>>, vector<16xf32>,
        tpu.vector_store %arg7[%swap3A_377, %swap3A_378], %gather3A_337 {strides = array<i32>} : memref<2x2048xf32, #tpu.memory_space<vmem>>, vector<16xf32>,
        %add3A_380 = arith.constant 112 : i32
        %add3A_381 = arith.addi %mul3A_300, %add3A_380 : i32
        %swap3A_382 = arith.constant 0 : i32
        %swap3A_383 = arith.index_cast %swap3A_382 : i32 to index
        %swap3A_384 = arith.index_cast %add3A_381 : i32 to index
        %swap3A_385 = tpu.vector_load %arg7[%swap3A_383, %swap3A_384] {strides = array<i32>} : memref<2x2048xf32, #tpu.memory_space<vmem>>, vector<16xf32>,
        tpu.vector_store %arg7[%swap3A_383, %swap3A_384], %gather3A_338 {strides = array<i32>} : memref<2x2048xf32, #tpu.memory_space<vmem>>, vector<16xf32>,
      }
      %scan3A_48 = arith.constant 16 : i32
      %dma_start3A = arith.constant 0 : i32
      %dma_start3A_49 = arith.constant 0 : i32
      %dma_start3A_50 = tpu.memref_slice %arg7[%dma_start3A, %dma_start3A_49] : memref<2x2048xf32, #tpu.memory_space<vmem>> -> memref<1x2048xf32, #tpu.memory_space<vmem>>
      %dma_start3A_51 = tpu.memref_squeeze %dma_start3A_50 : memref<1x2048xf32, #tpu.memory_space<vmem>> -> memref<2048xf32, #tpu.memory_space<vmem>>
      %dma_start3A_52 = arith.constant 0 : i32
      %dma_start3A_53 = tpu.memref_slice %arg4[%add3A_11, %dma_start3A_52] : memref<416x16384xf32, #tpu.memory_space<hbm>> -> memref<1x2048xf32, #tpu.memory_space<hbm>>
      %dma_start3A_54 = tpu.memref_squeeze %dma_start3A_53 : memref<1x2048xf32, #tpu.memory_space<hbm>> -> memref<2048xf32, #tpu.memory_space<hbm>>
      %dma_start3A_55 = arith.constant 0 : i32
      %dma_start3A_56 = tpu.memref_slice %arg4[%add3A_11, %dma_start3A_55] : memref<416x16384xf32, #tpu.memory_space<hbm>> -> memref<1x2048xf32, #tpu.memory_space<hbm>>
      %dma_start3A_57 = tpu.memref_squeeze %dma_start3A_56 : memref<1x2048xf32, #tpu.memory_space<hbm>> -> memref<2048xf32, #tpu.memory_space<hbm>>
      %dma_start3A_58 = arith.constant 0 : i32
      %dma_start3A_59 = tpu.memref_slice %arg7[%dma_start3A, %dma_start3A_58] : memref<2x2048xf32, #tpu.memory_space<vmem>> -> memref<1x2048xf32, #tpu.memory_space<vmem>>
      %dma_start3A_60 = tpu.memref_squeeze %dma_start3A_59 : memref<1x2048xf32, #tpu.memory_space<vmem>> -> memref<2048xf32, #tpu.memory_space<vmem>>
      tpu.enqueue_dma source(%dma_start3A_60 : memref<2048xf32, #tpu.memory_space<vmem>>) target(%dma_start3A_57 : memref<2048xf32, #tpu.memory_space<hbm>>) target_semaphore(%arg8 : memref<!tpu.dma_semaphore, #tpu.memory_space<semaphore_mem>>)
      %scan3A_61 = arith.constant 0 : i32
      %scan3A_62 = arith.constant 16 : i32
      %scan3A_63 = arith.addi %scan3A_61, %scan3A_62 : i32
      %scan3A_64 = arith.constant 1 : i32
      scf.for %scan3A_290 = %scan3A_61 to %scan3A_63 step %scan3A_64  : i32 {
        %mul3A_291 = arith.constant 1 : i32
        %mul3A_292 = arith.muli %scan3A_290, %mul3A_291 : i32
        %add3A_293 = arith.constant 0 : i32
        %add3A_294 = arith.addi %add3A_293, %mul3A_292 : i32
        %mul3A_295 = arith.constant 128 : i32
        %mul3A_296 = arith.muli %add3A_294, %mul3A_295 : i32
        %add3A_297 = arith.constant 2048 : i32
        %add3A_298 = arith.addi %add3A_297, %mul3A_296 : i32
        %mul3A_299 = arith.constant 128 : i32
        %mul3A_300 = arith.muli %add3A_294, %mul3A_299 : i32
        %add3A_301 = arith.constant 0 : i32
        %add3A_302 = arith.addi %add3A_298, %add3A_301 : i32
        %get3A = arith.index_cast %add3A_302 : i32 to index
        %get3A_303 = tpu.vector_load %arg6[%get3A] {strides = array<i32>} : memref<16384xi32, #tpu.memory_space<vmem>>, vector<16xi32>,
        %add3A_304 = arith.constant 16 : i32
        %add3A_305 = arith.addi %add3A_298, %add3A_304 : i32
        %get3A_306 = arith.index_cast %add3A_305 : i32 to index
        %get3A_307 = tpu.vector_load %arg6[%get3A_306] {strides = array<i32>} : memref<16384xi32, #tpu.memory_space<vmem>>, vector<16xi32>,
        %add3A_308 = arith.constant 32 : i32
        %add3A_309 = arith.addi %add3A_298, %add3A_308 : i32
        %get3A_310 = arith.index_cast %add3A_309 : i32 to index
        %get3A_311 = tpu.vector_load %arg6[%get3A_310] {strides = array<i32>} : memref<16384xi32, #tpu.memory_space<vmem>>, vector<16xi32>,
        %add3A_312 = arith.constant 48 : i32
        %add3A_313 = arith.addi %add3A_298, %add3A_312 : i32
        %get3A_314 = arith.index_cast %add3A_313 : i32 to index
        %get3A_315 = tpu.vector_load %arg6[%get3A_314] {strides = array<i32>} : memref<16384xi32, #tpu.memory_space<vmem>>, vector<16xi32>,
        %add3A_316 = arith.constant 64 : i32
        %add3A_317 = arith.addi %add3A_298, %add3A_316 : i32
        %get3A_318 = arith.index_cast %add3A_317 : i32 to index
        %get3A_319 = tpu.vector_load %arg6[%get3A_318] {strides = array<i32>} : memref<16384xi32, #tpu.memory_space<vmem>>, vector<16xi32>,
        %add3A_320 = arith.constant 80 : i32
        %add3A_321 = arith.addi %add3A_298, %add3A_320 : i32
        %get3A_322 = arith.index_cast %add3A_321 : i32 to index
        %get3A_323 = tpu.vector_load %arg6[%get3A_322] {strides = array<i32>} : memref<16384xi32, #tpu.memory_space<vmem>>, vector<16xi32>,
        %add3A_324 = arith.constant 96 : i32
        %add3A_325 = arith.addi %add3A_298, %add3A_324 : i32
        %get3A_326 = arith.index_cast %add3A_325 : i32 to index
        %get3A_327 = tpu.vector_load %arg6[%get3A_326] {strides = array<i32>} : memref<16384xi32, #tpu.memory_space<vmem>>, vector<16xi32>,
        %add3A_328 = arith.constant 112 : i32
        %add3A_329 = arith.addi %add3A_298, %add3A_328 : i32
        %get3A_330 = arith.index_cast %add3A_329 : i32 to index
        %get3A_331 = tpu.vector_load %arg6[%get3A_330] {strides = array<i32>} : memref<16384xi32, #tpu.memory_space<vmem>>, vector<16xi32>,
        %gather3A = tpu.vector_load_idx %arg5[%get3A_303] : memref<100000xf32, #tpu.memory_space<vmem>>[vector<16xi32>], vector<16xf32>,
        %gather3A_332 = tpu.vector_load_idx %arg5[%get3A_307] : memref<100000xf32, #tpu.memory_space<vmem>>[vector<16xi32>], vector<16xf32>,
        %gather3A_333 = tpu.vector_load_idx %arg5[%get3A_311] : memref<100000xf32, #tpu.memory_space<vmem>>[vector<16xi32>], vector<16xf32>,
        %gather3A_334 = tpu.vector_load_idx %arg5[%get3A_315] : memref<100000xf32, #tpu.memory_space<vmem>>[vector<16xi32>], vector<16xf32>,
        %gather3A_335 = tpu.vector_load_idx %arg5[%get3A_319] : memref<100000xf32, #tpu.memory_space<vmem>>[vector<16xi32>], vector<16xf32>,
        %gather3A_336 = tpu.vector_load_idx %arg5[%get3A_323] : memref<100000xf32, #tpu.memory_space<vmem>>[vector<16xi32>], vector<16xf32>,
        %gather3A_337 = tpu.vector_load_idx %arg5[%get3A_327] : memref<100000xf32, #tpu.memory_space<vmem>>[vector<16xi32>], vector<16xf32>,
        %gather3A_338 = tpu.vector_load_idx %arg5[%get3A_331] : memref<100000xf32, #tpu.memory_space<vmem>>[vector<16xi32>], vector<16xf32>,
        %add3A_339 = arith.constant 0 : i32
        %add3A_340 = arith.addi %mul3A_300, %add3A_339 : i32
        %swap3A = arith.constant 1 : i32
        %swap3A_341 = arith.index_cast %swap3A : i32 to index
        %swap3A_342 = arith.index_cast %add3A_340 : i32 to index
        %swap3A_343 = tpu.vector_load %arg7[%swap3A_341, %swap3A_342] {strides = array<i32>} : memref<2x2048xf32, #tpu.memory_space<vmem>>, vector<16xf32>,
        tpu.vector_store %arg7[%swap3A_341, %swap3A_342], %gather3A {strides = array<i32>} : memref<2x2048xf32, #tpu.memory_space<vmem>>, vector<16xf32>,
        %add3A_344 = arith.constant 16 : i32
        %add3A_345 = arith.addi %mul3A_300, %add3A_344 : i32
        %swap3A_346 = arith.constant 1 : i32
        %swap3A_347 = arith.index_cast %swap3A_346 : i32 to index
        %swap3A_348 = arith.index_cast %add3A_345 : i32 to index
        %swap3A_349 = tpu.vector_load %arg7[%swap3A_347, %swap3A_348] {strides = array<i32>} : memref<2x2048xf32, #tpu.memory_space<vmem>>, vector<16xf32>,
        tpu.vector_store %arg7[%swap3A_347, %swap3A_348], %gather3A_332 {strides = array<i32>} : memref<2x2048xf32, #tpu.memory_space<vmem>>, vector<16xf32>,
        %add3A_350 = arith.constant 32 : i32
        %add3A_351 = arith.addi %mul3A_300, %add3A_350 : i32
        %swap3A_352 = arith.constant 1 : i32
        %swap3A_353 = arith.index_cast %swap3A_352 : i32 to index
        %swap3A_354 = arith.index_cast %add3A_351 : i32 to index
        %swap3A_355 = tpu.vector_load %arg7[%swap3A_353, %swap3A_354] {strides = array<i32>} : memref<2x2048xf32, #tpu.memory_space<vmem>>, vector<16xf32>,
        tpu.vector_store %arg7[%swap3A_353, %swap3A_354], %gather3A_333 {strides = array<i32>} : memref<2x2048xf32, #tpu.memory_space<vmem>>, vector<16xf32>,
        %add3A_356 = arith.constant 48 : i32
        %add3A_357 = arith.addi %mul3A_300, %add3A_356 : i32
        %swap3A_358 = arith.constant 1 : i32
        %swap3A_359 = arith.index_cast %swap3A_358 : i32 to index
        %swap3A_360 = arith.index_cast %add3A_357 : i32 to index
        %swap3A_361 = tpu.vector_load %arg7[%swap3A_359, %swap3A_360] {strides = array<i32>} : memref<2x2048xf32, #tpu.memory_space<vmem>>, vector<16xf32>,
        tpu.vector_store %arg7[%swap3A_359, %swap3A_360], %gather3A_334 {strides = array<i32>} : memref<2x2048xf32, #tpu.memory_space<vmem>>, vector<16xf32>,
        %add3A_362 = arith.constant 64 : i32
        %add3A_363 = arith.addi %mul3A_300, %add3A_362 : i32
        %swap3A_364 = arith.constant 1 : i32
        %swap3A_365 = arith.index_cast %swap3A_364 : i32 to index
        %swap3A_366 = arith.index_cast %add3A_363 : i32 to index
        %swap3A_367 = tpu.vector_load %arg7[%swap3A_365, %swap3A_366] {strides = array<i32>} : memref<2x2048xf32, #tpu.memory_space<vmem>>, vector<16xf32>,
        tpu.vector_store %arg7[%swap3A_365, %swap3A_366], %gather3A_335 {strides = array<i32>} : memref<2x2048xf32, #tpu.memory_space<vmem>>, vector<16xf32>,
        %add3A_368 = arith.constant 80 : i32
        %add3A_369 = arith.addi %mul3A_300, %add3A_368 : i32
        %swap3A_370 = arith.constant 1 : i32
        %swap3A_371 = arith.index_cast %swap3A_370 : i32 to index
        %swap3A_372 = arith.index_cast %add3A_369 : i32 to index
        %swap3A_373 = tpu.vector_load %arg7[%swap3A_371, %swap3A_372] {strides = array<i32>} : memref<2x2048xf32, #tpu.memory_space<vmem>>, vector<16xf32>,
        tpu.vector_store %arg7[%swap3A_371, %swap3A_372], %gather3A_336 {strides = array<i32>} : memref<2x2048xf32, #tpu.memory_space<vmem>>, vector<16xf32>,
        %add3A_374 = arith.constant 96 : i32
        %add3A_375 = arith.addi %mul3A_300, %add3A_374 : i32
        %swap3A_376 = arith.constant 1 : i32
        %swap3A_377 = arith.index_cast %swap3A_376 : i32 to index
        %swap3A_378 = arith.index_cast %add3A_375 : i32 to index
        %swap3A_379 = tpu.vector_load %arg7[%swap3A_377, %swap3A_378] {strides = array<i32>} : memref<2x2048xf32, #tpu.memory_space<vmem>>, vector<16xf32>,
        tpu.vector_store %arg7[%swap3A_377, %swap3A_378], %gather3A_337 {strides = array<i32>} : memref<2x2048xf32, #tpu.memory_space<vmem>>, vector<16xf32>,
        %add3A_380 = arith.constant 112 : i32
        %add3A_381 = arith.addi %mul3A_300, %add3A_380 : i32
        %swap3A_382 = arith.constant 1 : i32
        %swap3A_383 = arith.index_cast %swap3A_382 : i32 to index
        %swap3A_384 = arith.index_cast %add3A_381 : i32 to index
        %swap3A_385 = tpu.vector_load %arg7[%swap3A_383, %swap3A_384] {strides = array<i32>} : memref<2x2048xf32, #tpu.memory_space<vmem>>, vector<16xf32>,
        tpu.vector_store %arg7[%swap3A_383, %swap3A_384], %gather3A_338 {strides = array<i32>} : memref<2x2048xf32, #tpu.memory_space<vmem>>, vector<16xf32>,
      }
      %scan3A_65 = arith.constant 16 : i32
      %dma_start3A_66 = arith.constant 1 : i32
      %dma_start3A_67 = arith.constant 0 : i32
      %dma_start3A_68 = tpu.memref_slice %arg7[%dma_start3A_66, %dma_start3A_67] : memref<2x2048xf32, #tpu.memory_space<vmem>> -> memref<1x2048xf32, #tpu.memory_space<vmem>>
      %dma_start3A_69 = tpu.memref_squeeze %dma_start3A_68 : memref<1x2048xf32, #tpu.memory_space<vmem>> -> memref<2048xf32, #tpu.memory_space<vmem>>
      %dma_start3A_70 = arith.constant 2048 : i32
      %dma_start3A_71 = tpu.memref_slice %arg4[%add3A_11, %dma_start3A_70] : memref<416x16384xf32, #tpu.memory_space<hbm>> -> memref<1x2048xf32, #tpu.memory_space<hbm>>
      %dma_start3A_72 = tpu.memref_squeeze %dma_start3A_71 : memref<1x2048xf32, #tpu.memory_space<hbm>> -> memref<2048xf32, #tpu.memory_space<hbm>>
      %dma_start3A_73 = arith.constant 2048 : i32
      %dma_start3A_74 = tpu.memref_slice %arg4[%add3A_11, %dma_start3A_73] : memref<416x16384xf32, #tpu.memory_space<hbm>> -> memref<1x2048xf32, #tpu.memory_space<hbm>>
      %dma_start3A_75 = tpu.memref_squeeze %dma_start3A_74 : memref<1x2048xf32, #tpu.memory_space<hbm>> -> memref<2048xf32, #tpu.memory_space<hbm>>
      %dma_start3A_76 = arith.constant 0 : i32
      %dma_start3A_77 = tpu.memref_slice %arg7[%dma_start3A_66, %dma_start3A_76] : memref<2x2048xf32, #tpu.memory_space<vmem>> -> memref<1x2048xf32, #tpu.memory_space<vmem>>
      %dma_start3A_78 = tpu.memref_squeeze %dma_start3A_77 : memref<1x2048xf32, #tpu.memory_space<vmem>> -> memref<2048xf32, #tpu.memory_space<vmem>>
      tpu.enqueue_dma source(%dma_start3A_78 : memref<2048xf32, #tpu.memory_space<vmem>>) target(%dma_start3A_75 : memref<2048xf32, #tpu.memory_space<hbm>>) target_semaphore(%arg8 : memref<!tpu.dma_semaphore, #tpu.memory_space<semaphore_mem>>)
      %dma_wait3A = arith.constant 0 : i32
      %dma_wait3A_79 = arith.constant 0 : i32
      %dma_wait3A_80 = tpu.memref_slice %arg7[%dma_wait3A, %dma_wait3A_79] : memref<2x2048xf32, #tpu.memory_space<vmem>> -> memref<1x2048xf32, #tpu.memory_space<vmem>>
      %dma_wait3A_81 = tpu.memref_squeeze %dma_wait3A_80 : memref<1x2048xf32, #tpu.memory_space<vmem>> -> memref<2048xf32, #tpu.memory_space<vmem>>
      %dma_wait3A_82 = arith.constant 0 : i32
      %dma_wait3A_83 = tpu.memref_slice %arg4[%add3A_11, %dma_wait3A_82] : memref<416x16384xf32, #tpu.memory_space<hbm>> -> memref<1x2048xf32, #tpu.memory_space<hbm>>
      %dma_wait3A_84 = tpu.memref_squeeze %dma_wait3A_83 : memref<1x2048xf32, #tpu.memory_space<hbm>> -> memref<2048xf32, #tpu.memory_space<hbm>>
      %dma_wait3A_85 = arith.constant 0 : i32
      %dma_wait3A_86 = tpu.memref_slice %arg4[%add3A_11, %dma_wait3A_85] : memref<416x16384xf32, #tpu.memory_space<hbm>> -> memref<1x2048xf32, #tpu.memory_space<hbm>>
      %dma_wait3A_87 = tpu.memref_squeeze %dma_wait3A_86 : memref<1x2048xf32, #tpu.memory_space<hbm>> -> memref<2048xf32, #tpu.memory_space<hbm>>
      %dma_wait3A_88 = arith.constant 0 : i32
      %dma_wait3A_89 = tpu.memref_slice %arg7[%dma_wait3A, %dma_wait3A_88] : memref<2x2048xf32, #tpu.memory_space<vmem>> -> memref<1x2048xf32, #tpu.memory_space<vmem>>
      %dma_wait3A_90 = tpu.memref_squeeze %dma_wait3A_89 : memref<1x2048xf32, #tpu.memory_space<vmem>> -> memref<2048xf32, #tpu.memory_space<vmem>>
      tpu.wait_dma2 semaphore(%arg8 : memref<!tpu.dma_semaphore, #tpu.memory_space<semaphore_mem>>) src(%dma_wait3A_90 : memref<2048xf32, #tpu.memory_space<vmem>>) dst(%dma_wait3A_87 : memref<2048xf32, #tpu.memory_space<hbm>>)
      %scan3A_91 = arith.constant 0 : i32
      %scan3A_92 = arith.constant 16 : i32
      %scan3A_93 = arith.addi %scan3A_91, %scan3A_92 : i32
      %scan3A_94 = arith.constant 1 : i32
      scf.for %scan3A_290 = %scan3A_91 to %scan3A_93 step %scan3A_94  : i32 {
        %mul3A_291 = arith.constant 1 : i32
        %mul3A_292 = arith.muli %scan3A_290, %mul3A_291 : i32
        %add3A_293 = arith.constant 0 : i32
        %add3A_294 = arith.addi %add3A_293, %mul3A_292 : i32
        %mul3A_295 = arith.constant 128 : i32
        %mul3A_296 = arith.muli %add3A_294, %mul3A_295 : i32
        %add3A_297 = arith.constant 4096 : i32
        %add3A_298 = arith.addi %add3A_297, %mul3A_296 : i32
        %mul3A_299 = arith.constant 128 : i32
        %mul3A_300 = arith.muli %add3A_294, %mul3A_299 : i32
        %add3A_301 = arith.constant 0 : i32
        %add3A_302 = arith.addi %add3A_298, %add3A_301 : i32
        %get3A = arith.index_cast %add3A_302 : i32 to index
        %get3A_303 = tpu.vector_load %arg6[%get3A] {strides = array<i32>} : memref<16384xi32, #tpu.memory_space<vmem>>, vector<16xi32>,
        %add3A_304 = arith.constant 16 : i32
        %add3A_305 = arith.addi %add3A_298, %add3A_304 : i32
        %get3A_306 = arith.index_cast %add3A_305 : i32 to index
        %get3A_307 = tpu.vector_load %arg6[%get3A_306] {strides = array<i32>} : memref<16384xi32, #tpu.memory_space<vmem>>, vector<16xi32>,
        %add3A_308 = arith.constant 32 : i32
        %add3A_309 = arith.addi %add3A_298, %add3A_308 : i32
        %get3A_310 = arith.index_cast %add3A_309 : i32 to index
        %get3A_311 = tpu.vector_load %arg6[%get3A_310] {strides = array<i32>} : memref<16384xi32, #tpu.memory_space<vmem>>, vector<16xi32>,
        %add3A_312 = arith.constant 48 : i32
        %add3A_313 = arith.addi %add3A_298, %add3A_312 : i32
        %get3A_314 = arith.index_cast %add3A_313 : i32 to index
        %get3A_315 = tpu.vector_load %arg6[%get3A_314] {strides = array<i32>} : memref<16384xi32, #tpu.memory_space<vmem>>, vector<16xi32>,
        %add3A_316 = arith.constant 64 : i32
        %add3A_317 = arith.addi %add3A_298, %add3A_316 : i32
        %get3A_318 = arith.index_cast %add3A_317 : i32 to index
        %get3A_319 = tpu.vector_load %arg6[%get3A_318] {strides = array<i32>} : memref<16384xi32, #tpu.memory_space<vmem>>, vector<16xi32>,
        %add3A_320 = arith.constant 80 : i32
        %add3A_321 = arith.addi %add3A_298, %add3A_320 : i32
        %get3A_322 = arith.index_cast %add3A_321 : i32 to index
        %get3A_323 = tpu.vector_load %arg6[%get3A_322] {strides = array<i32>} : memref<16384xi32, #tpu.memory_space<vmem>>, vector<16xi32>,
        %add3A_324 = arith.constant 96 : i32
        %add3A_325 = arith.addi %add3A_298, %add3A_324 : i32
        %get3A_326 = arith.index_cast %add3A_325 : i32 to index
        %get3A_327 = tpu.vector_load %arg6[%get3A_326] {strides = array<i32>} : memref<16384xi32, #tpu.memory_space<vmem>>, vector<16xi32>,
        %add3A_328 = arith.constant 112 : i32
        %add3A_329 = arith.addi %add3A_298, %add3A_328 : i32
        %get3A_330 = arith.index_cast %add3A_329 : i32 to index
        %get3A_331 = tpu.vector_load %arg6[%get3A_330] {strides = array<i32>} : memref<16384xi32, #tpu.memory_space<vmem>>, vector<16xi32>,
        %gather3A = tpu.vector_load_idx %arg5[%get3A_303] : memref<100000xf32, #tpu.memory_space<vmem>>[vector<16xi32>], vector<16xf32>,
        %gather3A_332 = tpu.vector_load_idx %arg5[%get3A_307] : memref<100000xf32, #tpu.memory_space<vmem>>[vector<16xi32>], vector<16xf32>,
        %gather3A_333 = tpu.vector_load_idx %arg5[%get3A_311] : memref<100000xf32, #tpu.memory_space<vmem>>[vector<16xi32>], vector<16xf32>,
        %gather3A_334 = tpu.vector_load_idx %arg5[%get3A_315] : memref<100000xf32, #tpu.memory_space<vmem>>[vector<16xi32>], vector<16xf32>,
        %gather3A_335 = tpu.vector_load_idx %arg5[%get3A_319] : memref<100000xf32, #tpu.memory_space<vmem>>[vector<16xi32>], vector<16xf32>,
        %gather3A_336 = tpu.vector_load_idx %arg5[%get3A_323] : memref<100000xf32, #tpu.memory_space<vmem>>[vector<16xi32>], vector<16xf32>,
        %gather3A_337 = tpu.vector_load_idx %arg5[%get3A_327] : memref<100000xf32, #tpu.memory_space<vmem>>[vector<16xi32>], vector<16xf32>,
        %gather3A_338 = tpu.vector_load_idx %arg5[%get3A_331] : memref<100000xf32, #tpu.memory_space<vmem>>[vector<16xi32>], vector<16xf32>,
        %add3A_339 = arith.constant 0 : i32
        %add3A_340 = arith.addi %mul3A_300, %add3A_339 : i32
        %swap3A = arith.constant 0 : i32
        %swap3A_341 = arith.index_cast %swap3A : i32 to index
        %swap3A_342 = arith.index_cast %add3A_340 : i32 to index
        %swap3A_343 = tpu.vector_load %arg7[%swap3A_341, %swap3A_342] {strides = array<i32>} : memref<2x2048xf32, #tpu.memory_space<vmem>>, vector<16xf32>,
        tpu.vector_store %arg7[%swap3A_341, %swap3A_342], %gather3A {strides = array<i32>} : memref<2x2048xf32, #tpu.memory_space<vmem>>, vector<16xf32>,
        %add3A_344 = arith.constant 16 : i32
        %add3A_345 = arith.addi %mul3A_300, %add3A_344 : i32
        %swap3A_346 = arith.constant 0 : i32
        %swap3A_347 = arith.index_cast %swap3A_346 : i32 to index
        %swap3A_348 = arith.index_cast %add3A_345 : i32 to index
        %swap3A_349 = tpu.vector_load %arg7[%swap3A_347, %swap3A_348] {strides = array<i32>} : memref<2x2048xf32, #tpu.memory_space<vmem>>, vector<16xf32>,
        tpu.vector_store %arg7[%swap3A_347, %swap3A_348], %gather3A_332 {strides = array<i32>} : memref<2x2048xf32, #tpu.memory_space<vmem>>, vector<16xf32>,
        %add3A_350 = arith.constant 32 : i32
        %add3A_351 = arith.addi %mul3A_300, %add3A_350 : i32
        %swap3A_352 = arith.constant 0 : i32
        %swap3A_353 = arith.index_cast %swap3A_352 : i32 to index
        %swap3A_354 = arith.index_cast %add3A_351 : i32 to index
        %swap3A_355 = tpu.vector_load %arg7[%swap3A_353, %swap3A_354] {strides = array<i32>} : memref<2x2048xf32, #tpu.memory_space<vmem>>, vector<16xf32>,
        tpu.vector_store %arg7[%swap3A_353, %swap3A_354], %gather3A_333 {strides = array<i32>} : memref<2x2048xf32, #tpu.memory_space<vmem>>, vector<16xf32>,
        %add3A_356 = arith.constant 48 : i32
        %add3A_357 = arith.addi %mul3A_300, %add3A_356 : i32
        %swap3A_358 = arith.constant 0 : i32
        %swap3A_359 = arith.index_cast %swap3A_358 : i32 to index
        %swap3A_360 = arith.index_cast %add3A_357 : i32 to index
        %swap3A_361 = tpu.vector_load %arg7[%swap3A_359, %swap3A_360] {strides = array<i32>} : memref<2x2048xf32, #tpu.memory_space<vmem>>, vector<16xf32>,
        tpu.vector_store %arg7[%swap3A_359, %swap3A_360], %gather3A_334 {strides = array<i32>} : memref<2x2048xf32, #tpu.memory_space<vmem>>, vector<16xf32>,
        %add3A_362 = arith.constant 64 : i32
        %add3A_363 = arith.addi %mul3A_300, %add3A_362 : i32
        %swap3A_364 = arith.constant 0 : i32
        %swap3A_365 = arith.index_cast %swap3A_364 : i32 to index
        %swap3A_366 = arith.index_cast %add3A_363 : i32 to index
        %swap3A_367 = tpu.vector_load %arg7[%swap3A_365, %swap3A_366] {strides = array<i32>} : memref<2x2048xf32, #tpu.memory_space<vmem>>, vector<16xf32>,
        tpu.vector_store %arg7[%swap3A_365, %swap3A_366], %gather3A_335 {strides = array<i32>} : memref<2x2048xf32, #tpu.memory_space<vmem>>, vector<16xf32>,
        %add3A_368 = arith.constant 80 : i32
        %add3A_369 = arith.addi %mul3A_300, %add3A_368 : i32
        %swap3A_370 = arith.constant 0 : i32
        %swap3A_371 = arith.index_cast %swap3A_370 : i32 to index
        %swap3A_372 = arith.index_cast %add3A_369 : i32 to index
        %swap3A_373 = tpu.vector_load %arg7[%swap3A_371, %swap3A_372] {strides = array<i32>} : memref<2x2048xf32, #tpu.memory_space<vmem>>, vector<16xf32>,
        tpu.vector_store %arg7[%swap3A_371, %swap3A_372], %gather3A_336 {strides = array<i32>} : memref<2x2048xf32, #tpu.memory_space<vmem>>, vector<16xf32>,
        %add3A_374 = arith.constant 96 : i32
        %add3A_375 = arith.addi %mul3A_300, %add3A_374 : i32
        %swap3A_376 = arith.constant 0 : i32
        %swap3A_377 = arith.index_cast %swap3A_376 : i32 to index
        %swap3A_378 = arith.index_cast %add3A_375 : i32 to index
        %swap3A_379 = tpu.vector_load %arg7[%swap3A_377, %swap3A_378] {strides = array<i32>} : memref<2x2048xf32, #tpu.memory_space<vmem>>, vector<16xf32>,
        tpu.vector_store %arg7[%swap3A_377, %swap3A_378], %gather3A_337 {strides = array<i32>} : memref<2x2048xf32, #tpu.memory_space<vmem>>, vector<16xf32>,
        %add3A_380 = arith.constant 112 : i32
        %add3A_381 = arith.addi %mul3A_300, %add3A_380 : i32
        %swap3A_382 = arith.constant 0 : i32
        %swap3A_383 = arith.index_cast %swap3A_382 : i32 to index
        %swap3A_384 = arith.index_cast %add3A_381 : i32 to index
        %swap3A_385 = tpu.vector_load %arg7[%swap3A_383, %swap3A_384] {strides = array<i32>} : memref<2x2048xf32, #tpu.memory_space<vmem>>, vector<16xf32>,
        tpu.vector_store %arg7[%swap3A_383, %swap3A_384], %gather3A_338 {strides = array<i32>} : memref<2x2048xf32, #tpu.memory_space<vmem>>, vector<16xf32>,
      }
      %scan3A_95 = arith.constant 16 : i32
      %dma_start3A_96 = arith.constant 0 : i32
      %dma_start3A_97 = arith.constant 0 : i32
      %dma_start3A_98 = tpu.memref_slice %arg7[%dma_start3A_96, %dma_start3A_97] : memref<2x2048xf32, #tpu.memory_space<vmem>> -> memref<1x2048xf32, #tpu.memory_space<vmem>>
      %dma_start3A_99 = tpu.memref_squeeze %dma_start3A_98 : memref<1x2048xf32, #tpu.memory_space<vmem>> -> memref<2048xf32, #tpu.memory_space<vmem>>
      %dma_start3A_100 = arith.constant 4096 : i32
      %dma_start3A_101 = tpu.memref_slice %arg4[%add3A_11, %dma_start3A_100] : memref<416x16384xf32, #tpu.memory_space<hbm>> -> memref<1x2048xf32, #tpu.memory_space<hbm>>
      %dma_start3A_102 = tpu.memref_squeeze %dma_start3A_101 : memref<1x2048xf32, #tpu.memory_space<hbm>> -> memref<2048xf32, #tpu.memory_space<hbm>>
      %dma_start3A_103 = arith.constant 4096 : i32
      %dma_start3A_104 = tpu.memref_slice %arg4[%add3A_11, %dma_start3A_103] : memref<416x16384xf32, #tpu.memory_space<hbm>> -> memref<1x2048xf32, #tpu.memory_space<hbm>>
      %dma_start3A_105 = tpu.memref_squeeze %dma_start3A_104 : memref<1x2048xf32, #tpu.memory_space<hbm>> -> memref<2048xf32, #tpu.memory_space<hbm>>
      %dma_start3A_106 = arith.constant 0 : i32
      %dma_start3A_107 = tpu.memref_slice %arg7[%dma_start3A_96, %dma_start3A_106] : memref<2x2048xf32, #tpu.memory_space<vmem>> -> memref<1x2048xf32, #tpu.memory_space<vmem>>
      %dma_start3A_108 = tpu.memref_squeeze %dma_start3A_107 : memref<1x2048xf32, #tpu.memory_space<vmem>> -> memref<2048xf32, #tpu.memory_space<vmem>>
      tpu.enqueue_dma source(%dma_start3A_108 : memref<2048xf32, #tpu.memory_space<vmem>>) target(%dma_start3A_105 : memref<2048xf32, #tpu.memory_space<hbm>>) target_semaphore(%arg8 : memref<!tpu.dma_semaphore, #tpu.memory_space<semaphore_mem>>)
      %dma_wait3A_109 = arith.constant 1 : i32
      %dma_wait3A_110 = arith.constant 0 : i32
      %dma_wait3A_111 = tpu.memref_slice %arg7[%dma_wait3A_109, %dma_wait3A_110] : memref<2x2048xf32, #tpu.memory_space<vmem>> -> memref<1x2048xf32, #tpu.memory_space<vmem>>
      %dma_wait3A_112 = tpu.memref_squeeze %dma_wait3A_111 : memref<1x2048xf32, #tpu.memory_space<vmem>> -> memref<2048xf32, #tpu.memory_space<vmem>>
      %dma_wait3A_113 = arith.constant 2048 : i32
      %dma_wait3A_114 = tpu.memref_slice %arg4[%add3A_11, %dma_wait3A_113] : memref<416x16384xf32, #tpu.memory_space<hbm>> -> memref<1x2048xf32, #tpu.memory_space<hbm>>
      %dma_wait3A_115 = tpu.memref_squeeze %dma_wait3A_114 : memref<1x2048xf32, #tpu.memory_space<hbm>> -> memref<2048xf32, #tpu.memory_space<hbm>>
      %dma_wait3A_116 = arith.constant 2048 : i32
      %dma_wait3A_117 = tpu.memref_slice %arg4[%add3A_11, %dma_wait3A_116] : memref<416x16384xf32, #tpu.memory_space<hbm>> -> memref<1x2048xf32, #tpu.memory_space<hbm>>
      %dma_wait3A_118 = tpu.memref_squeeze %dma_wait3A_117 : memref<1x2048xf32, #tpu.memory_space<hbm>> -> memref<2048xf32, #tpu.memory_space<hbm>>
      %dma_wait3A_119 = arith.constant 0 : i32
      %dma_wait3A_120 = tpu.memref_slice %arg7[%dma_wait3A_109, %dma_wait3A_119] : memref<2x2048xf32, #tpu.memory_space<vmem>> -> memref<1x2048xf32, #tpu.memory_space<vmem>>
      %dma_wait3A_121 = tpu.memref_squeeze %dma_wait3A_120 : memref<1x2048xf32, #tpu.memory_space<vmem>> -> memref<2048xf32, #tpu.memory_space<vmem>>
      tpu.wait_dma2 semaphore(%arg8 : memref<!tpu.dma_semaphore, #tpu.memory_space<semaphore_mem>>) src(%dma_wait3A_121 : memref<2048xf32, #tpu.memory_space<vmem>>) dst(%dma_wait3A_118 : memref<2048xf32, #tpu.memory_space<hbm>>)
      %scan3A_122 = arith.constant 0 : i32
      %scan3A_123 = arith.constant 16 : i32
      %scan3A_124 = arith.addi %scan3A_122, %scan3A_123 : i32
      %scan3A_125 = arith.constant 1 : i32
      scf.for %scan3A_290 = %scan3A_122 to %scan3A_124 step %scan3A_125  : i32 {
        %mul3A_291 = arith.constant 1 : i32
        %mul3A_292 = arith.muli %scan3A_290, %mul3A_291 : i32
        %add3A_293 = arith.constant 0 : i32
        %add3A_294 = arith.addi %add3A_293, %mul3A_292 : i32
        %mul3A_295 = arith.constant 128 : i32
        %mul3A_296 = arith.muli %add3A_294, %mul3A_295 : i32
        %add3A_297 = arith.constant 6144 : i32
        %add3A_298 = arith.addi %add3A_297, %mul3A_296 : i32
        %mul3A_299 = arith.constant 128 : i32
        %mul3A_300 = arith.muli %add3A_294, %mul3A_299 : i32
        %add3A_301 = arith.constant 0 : i32
        %add3A_302 = arith.addi %add3A_298, %add3A_301 : i32
        %get3A = arith.index_cast %add3A_302 : i32 to index
        %get3A_303 = tpu.vector_load %arg6[%get3A] {strides = array<i32>} : memref<16384xi32, #tpu.memory_space<vmem>>, vector<16xi32>,
        %add3A_304 = arith.constant 16 : i32
        %add3A_305 = arith.addi %add3A_298, %add3A_304 : i32
        %get3A_306 = arith.index_cast %add3A_305 : i32 to index
        %get3A_307 = tpu.vector_load %arg6[%get3A_306] {strides = array<i32>} : memref<16384xi32, #tpu.memory_space<vmem>>, vector<16xi32>,
        %add3A_308 = arith.constant 32 : i32
        %add3A_309 = arith.addi %add3A_298, %add3A_308 : i32
        %get3A_310 = arith.index_cast %add3A_309 : i32 to index
        %get3A_311 = tpu.vector_load %arg6[%get3A_310] {strides = array<i32>} : memref<16384xi32, #tpu.memory_space<vmem>>, vector<16xi32>,
        %add3A_312 = arith.constant 48 : i32
        %add3A_313 = arith.addi %add3A_298, %add3A_312 : i32
        %get3A_314 = arith.index_cast %add3A_313 : i32 to index
        %get3A_315 = tpu.vector_load %arg6[%get3A_314] {strides = array<i32>} : memref<16384xi32, #tpu.memory_space<vmem>>, vector<16xi32>,
        %add3A_316 = arith.constant 64 : i32
        %add3A_317 = arith.addi %add3A_298, %add3A_316 : i32
        %get3A_318 = arith.index_cast %add3A_317 : i32 to index
        %get3A_319 = tpu.vector_load %arg6[%get3A_318] {strides = array<i32>} : memref<16384xi32, #tpu.memory_space<vmem>>, vector<16xi32>,
        %add3A_320 = arith.constant 80 : i32
        %add3A_321 = arith.addi %add3A_298, %add3A_320 : i32
        %get3A_322 = arith.index_cast %add3A_321 : i32 to index
        %get3A_323 = tpu.vector_load %arg6[%get3A_322] {strides = array<i32>} : memref<16384xi32, #tpu.memory_space<vmem>>, vector<16xi32>,
        %add3A_324 = arith.constant 96 : i32
        %add3A_325 = arith.addi %add3A_298, %add3A_324 : i32
        %get3A_326 = arith.index_cast %add3A_325 : i32 to index
        %get3A_327 = tpu.vector_load %arg6[%get3A_326] {strides = array<i32>} : memref<16384xi32, #tpu.memory_space<vmem>>, vector<16xi32>,
        %add3A_328 = arith.constant 112 : i32
        %add3A_329 = arith.addi %add3A_298, %add3A_328 : i32
        %get3A_330 = arith.index_cast %add3A_329 : i32 to index
        %get3A_331 = tpu.vector_load %arg6[%get3A_330] {strides = array<i32>} : memref<16384xi32, #tpu.memory_space<vmem>>, vector<16xi32>,
        %gather3A = tpu.vector_load_idx %arg5[%get3A_303] : memref<100000xf32, #tpu.memory_space<vmem>>[vector<16xi32>], vector<16xf32>,
        %gather3A_332 = tpu.vector_load_idx %arg5[%get3A_307] : memref<100000xf32, #tpu.memory_space<vmem>>[vector<16xi32>], vector<16xf32>,
        %gather3A_333 = tpu.vector_load_idx %arg5[%get3A_311] : memref<100000xf32, #tpu.memory_space<vmem>>[vector<16xi32>], vector<16xf32>,
        %gather3A_334 = tpu.vector_load_idx %arg5[%get3A_315] : memref<100000xf32, #tpu.memory_space<vmem>>[vector<16xi32>], vector<16xf32>,
        %gather3A_335 = tpu.vector_load_idx %arg5[%get3A_319] : memref<100000xf32, #tpu.memory_space<vmem>>[vector<16xi32>], vector<16xf32>,
        %gather3A_336 = tpu.vector_load_idx %arg5[%get3A_323] : memref<100000xf32, #tpu.memory_space<vmem>>[vector<16xi32>], vector<16xf32>,
        %gather3A_337 = tpu.vector_load_idx %arg5[%get3A_327] : memref<100000xf32, #tpu.memory_space<vmem>>[vector<16xi32>], vector<16xf32>,
        %gather3A_338 = tpu.vector_load_idx %arg5[%get3A_331] : memref<100000xf32, #tpu.memory_space<vmem>>[vector<16xi32>], vector<16xf32>,
        %add3A_339 = arith.constant 0 : i32
        %add3A_340 = arith.addi %mul3A_300, %add3A_339 : i32
        %swap3A = arith.constant 1 : i32
        %swap3A_341 = arith.index_cast %swap3A : i32 to index
        %swap3A_342 = arith.index_cast %add3A_340 : i32 to index
        %swap3A_343 = tpu.vector_load %arg7[%swap3A_341, %swap3A_342] {strides = array<i32>} : memref<2x2048xf32, #tpu.memory_space<vmem>>, vector<16xf32>,
        tpu.vector_store %arg7[%swap3A_341, %swap3A_342], %gather3A {strides = array<i32>} : memref<2x2048xf32, #tpu.memory_space<vmem>>, vector<16xf32>,
        %add3A_344 = arith.constant 16 : i32
        %add3A_345 = arith.addi %mul3A_300, %add3A_344 : i32
        %swap3A_346 = arith.constant 1 : i32
        %swap3A_347 = arith.index_cast %swap3A_346 : i32 to index
        %swap3A_348 = arith.index_cast %add3A_345 : i32 to index
        %swap3A_349 = tpu.vector_load %arg7[%swap3A_347, %swap3A_348] {strides = array<i32>} : memref<2x2048xf32, #tpu.memory_space<vmem>>, vector<16xf32>,
        tpu.vector_store %arg7[%swap3A_347, %swap3A_348], %gather3A_332 {strides = array<i32>} : memref<2x2048xf32, #tpu.memory_space<vmem>>, vector<16xf32>,
        %add3A_350 = arith.constant 32 : i32
        %add3A_351 = arith.addi %mul3A_300, %add3A_350 : i32
        %swap3A_352 = arith.constant 1 : i32
        %swap3A_353 = arith.index_cast %swap3A_352 : i32 to index
        %swap3A_354 = arith.index_cast %add3A_351 : i32 to index
        %swap3A_355 = tpu.vector_load %arg7[%swap3A_353, %swap3A_354] {strides = array<i32>} : memref<2x2048xf32, #tpu.memory_space<vmem>>, vector<16xf32>,
        tpu.vector_store %arg7[%swap3A_353, %swap3A_354], %gather3A_333 {strides = array<i32>} : memref<2x2048xf32, #tpu.memory_space<vmem>>, vector<16xf32>,
        %add3A_356 = arith.constant 48 : i32
        %add3A_357 = arith.addi %mul3A_300, %add3A_356 : i32
        %swap3A_358 = arith.constant 1 : i32
        %swap3A_359 = arith.index_cast %swap3A_358 : i32 to index
        %swap3A_360 = arith.index_cast %add3A_357 : i32 to index
        %swap3A_361 = tpu.vector_load %arg7[%swap3A_359, %swap3A_360] {strides = array<i32>} : memref<2x2048xf32, #tpu.memory_space<vmem>>, vector<16xf32>,
        tpu.vector_store %arg7[%swap3A_359, %swap3A_360], %gather3A_334 {strides = array<i32>} : memref<2x2048xf32, #tpu.memory_space<vmem>>, vector<16xf32>,
        %add3A_362 = arith.constant 64 : i32
        %add3A_363 = arith.addi %mul3A_300, %add3A_362 : i32
        %swap3A_364 = arith.constant 1 : i32
        %swap3A_365 = arith.index_cast %swap3A_364 : i32 to index
        %swap3A_366 = arith.index_cast %add3A_363 : i32 to index
        %swap3A_367 = tpu.vector_load %arg7[%swap3A_365, %swap3A_366] {strides = array<i32>} : memref<2x2048xf32, #tpu.memory_space<vmem>>, vector<16xf32>,
        tpu.vector_store %arg7[%swap3A_365, %swap3A_366], %gather3A_335 {strides = array<i32>} : memref<2x2048xf32, #tpu.memory_space<vmem>>, vector<16xf32>,
        %add3A_368 = arith.constant 80 : i32
        %add3A_369 = arith.addi %mul3A_300, %add3A_368 : i32
        %swap3A_370 = arith.constant 1 : i32
        %swap3A_371 = arith.index_cast %swap3A_370 : i32 to index
        %swap3A_372 = arith.index_cast %add3A_369 : i32 to index
        %swap3A_373 = tpu.vector_load %arg7[%swap3A_371, %swap3A_372] {strides = array<i32>} : memref<2x2048xf32, #tpu.memory_space<vmem>>, vector<16xf32>,
        tpu.vector_store %arg7[%swap3A_371, %swap3A_372], %gather3A_336 {strides = array<i32>} : memref<2x2048xf32, #tpu.memory_space<vmem>>, vector<16xf32>,
        %add3A_374 = arith.constant 96 : i32
        %add3A_375 = arith.addi %mul3A_300, %add3A_374 : i32
        %swap3A_376 = arith.constant 1 : i32
        %swap3A_377 = arith.index_cast %swap3A_376 : i32 to index
        %swap3A_378 = arith.index_cast %add3A_375 : i32 to index
        %swap3A_379 = tpu.vector_load %arg7[%swap3A_377, %swap3A_378] {strides = array<i32>} : memref<2x2048xf32, #tpu.memory_space<vmem>>, vector<16xf32>,
        tpu.vector_store %arg7[%swap3A_377, %swap3A_378], %gather3A_337 {strides = array<i32>} : memref<2x2048xf32, #tpu.memory_space<vmem>>, vector<16xf32>,
        %add3A_380 = arith.constant 112 : i32
        %add3A_381 = arith.addi %mul3A_300, %add3A_380 : i32
        %swap3A_382 = arith.constant 1 : i32
        %swap3A_383 = arith.index_cast %swap3A_382 : i32 to index
        %swap3A_384 = arith.index_cast %add3A_381 : i32 to index
        %swap3A_385 = tpu.vector_load %arg7[%swap3A_383, %swap3A_384] {strides = array<i32>} : memref<2x2048xf32, #tpu.memory_space<vmem>>, vector<16xf32>,
        tpu.vector_store %arg7[%swap3A_383, %swap3A_384], %gather3A_338 {strides = array<i32>} : memref<2x2048xf32, #tpu.memory_space<vmem>>, vector<16xf32>,
      }
      %scan3A_126 = arith.constant 16 : i32
      %dma_start3A_127 = arith.constant 1 : i32
      %dma_start3A_128 = arith.constant 0 : i32
      %dma_start3A_129 = tpu.memref_slice %arg7[%dma_start3A_127, %dma_start3A_128] : memref<2x2048xf32, #tpu.memory_space<vmem>> -> memref<1x2048xf32, #tpu.memory_space<vmem>>
      %dma_start3A_130 = tpu.memref_squeeze %dma_start3A_129 : memref<1x2048xf32, #tpu.memory_space<vmem>> -> memref<2048xf32, #tpu.memory_space<vmem>>
      %dma_start3A_131 = arith.constant 6144 : i32
      %dma_start3A_132 = tpu.memref_slice %arg4[%add3A_11, %dma_start3A_131] : memref<416x16384xf32, #tpu.memory_space<hbm>> -> memref<1x2048xf32, #tpu.memory_space<hbm>>
      %dma_start3A_133 = tpu.memref_squeeze %dma_start3A_132 : memref<1x2048xf32, #tpu.memory_space<hbm>> -> memref<2048xf32, #tpu.memory_space<hbm>>
      %dma_start3A_134 = arith.constant 6144 : i32
      %dma_start3A_135 = tpu.memref_slice %arg4[%add3A_11, %dma_start3A_134] : memref<416x16384xf32, #tpu.memory_space<hbm>> -> memref<1x2048xf32, #tpu.memory_space<hbm>>
      %dma_start3A_136 = tpu.memref_squeeze %dma_start3A_135 : memref<1x2048xf32, #tpu.memory_space<hbm>> -> memref<2048xf32, #tpu.memory_space<hbm>>
      %dma_start3A_137 = arith.constant 0 : i32
      %dma_start3A_138 = tpu.memref_slice %arg7[%dma_start3A_127, %dma_start3A_137] : memref<2x2048xf32, #tpu.memory_space<vmem>> -> memref<1x2048xf32, #tpu.memory_space<vmem>>
      %dma_start3A_139 = tpu.memref_squeeze %dma_start3A_138 : memref<1x2048xf32, #tpu.memory_space<vmem>> -> memref<2048xf32, #tpu.memory_space<vmem>>
      tpu.enqueue_dma source(%dma_start3A_139 : memref<2048xf32, #tpu.memory_space<vmem>>) target(%dma_start3A_136 : memref<2048xf32, #tpu.memory_space<hbm>>) target_semaphore(%arg8 : memref<!tpu.dma_semaphore, #tpu.memory_space<semaphore_mem>>)
      %dma_wait3A_140 = arith.constant 0 : i32
      %dma_wait3A_141 = arith.constant 0 : i32
      %dma_wait3A_142 = tpu.memref_slice %arg7[%dma_wait3A_140, %dma_wait3A_141] : memref<2x2048xf32, #tpu.memory_space<vmem>> -> memref<1x2048xf32, #tpu.memory_space<vmem>>
      %dma_wait3A_143 = tpu.memref_squeeze %dma_wait3A_142 : memref<1x2048xf32, #tpu.memory_space<vmem>> -> memref<2048xf32, #tpu.memory_space<vmem>>
      %dma_wait3A_144 = arith.constant 4096 : i32
      %dma_wait3A_145 = tpu.memref_slice %arg4[%add3A_11, %dma_wait3A_144] : memref<416x16384xf32, #tpu.memory_space<hbm>> -> memref<1x2048xf32, #tpu.memory_space<hbm>>
      %dma_wait3A_146 = tpu.memref_squeeze %dma_wait3A_145 : memref<1x2048xf32, #tpu.memory_space<hbm>> -> memref<2048xf32, #tpu.memory_space<hbm>>
      %dma_wait3A_147 = arith.constant 4096 : i32
      %dma_wait3A_148 = tpu.memref_slice %arg4[%add3A_11, %dma_wait3A_147] : memref<416x16384xf32, #tpu.memory_space<hbm>> -> memref<1x2048xf32, #tpu.memory_space<hbm>>
      %dma_wait3A_149 = tpu.memref_squeeze %dma_wait3A_148 : memref<1x2048xf32, #tpu.memory_space<hbm>> -> memref<2048xf32, #tpu.memory_space<hbm>>
      %dma_wait3A_150 = arith.constant 0 : i32
      %dma_wait3A_151 = tpu.memref_slice %arg7[%dma_wait3A_140, %dma_wait3A_150] : memref<2x2048xf32, #tpu.memory_space<vmem>> -> memref<1x2048xf32, #tpu.memory_space<vmem>>
      %dma_wait3A_152 = tpu.memref_squeeze %dma_wait3A_151 : memref<1x2048xf32, #tpu.memory_space<vmem>> -> memref<2048xf32, #tpu.memory_space<vmem>>
      tpu.wait_dma2 semaphore(%arg8 : memref<!tpu.dma_semaphore, #tpu.memory_space<semaphore_mem>>) src(%dma_wait3A_152 : memref<2048xf32, #tpu.memory_space<vmem>>) dst(%dma_wait3A_149 : memref<2048xf32, #tpu.memory_space<hbm>>)
      %scan3A_153 = arith.constant 0 : i32
      %scan3A_154 = arith.constant 16 : i32
      %scan3A_155 = arith.addi %scan3A_153, %scan3A_154 : i32
      %scan3A_156 = arith.constant 1 : i32
      scf.for %scan3A_290 = %scan3A_153 to %scan3A_155 step %scan3A_156  : i32 {
        %mul3A_291 = arith.constant 1 : i32
        %mul3A_292 = arith.muli %scan3A_290, %mul3A_291 : i32
        %add3A_293 = arith.constant 0 : i32
        %add3A_294 = arith.addi %add3A_293, %mul3A_292 : i32
        %mul3A_295 = arith.constant 128 : i32
        %mul3A_296 = arith.muli %add3A_294, %mul3A_295 : i32
        %add3A_297 = arith.constant 8192 : i32
        %add3A_298 = arith.addi %add3A_297, %mul3A_296 : i32
        %mul3A_299 = arith.constant 128 : i32
        %mul3A_300 = arith.muli %add3A_294, %mul3A_299 : i32
        %add3A_301 = arith.constant 0 : i32
        %add3A_302 = arith.addi %add3A_298, %add3A_301 : i32
        %get3A = arith.index_cast %add3A_302 : i32 to index
        %get3A_303 = tpu.vector_load %arg6[%get3A] {strides = array<i32>} : memref<16384xi32, #tpu.memory_space<vmem>>, vector<16xi32>,
        %add3A_304 = arith.constant 16 : i32
        %add3A_305 = arith.addi %add3A_298, %add3A_304 : i32
        %get3A_306 = arith.index_cast %add3A_305 : i32 to index
        %get3A_307 = tpu.vector_load %arg6[%get3A_306] {strides = array<i32>} : memref<16384xi32, #tpu.memory_space<vmem>>, vector<16xi32>,
        %add3A_308 = arith.constant 32 : i32
        %add3A_309 = arith.addi %add3A_298, %add3A_308 : i32
        %get3A_310 = arith.index_cast %add3A_309 : i32 to index
        %get3A_311 = tpu.vector_load %arg6[%get3A_310] {strides = array<i32>} : memref<16384xi32, #tpu.memory_space<vmem>>, vector<16xi32>,
        %add3A_312 = arith.constant 48 : i32
        %add3A_313 = arith.addi %add3A_298, %add3A_312 : i32
        %get3A_314 = arith.index_cast %add3A_313 : i32 to index
        %get3A_315 = tpu.vector_load %arg6[%get3A_314] {strides = array<i32>} : memref<16384xi32, #tpu.memory_space<vmem>>, vector<16xi32>,
        %add3A_316 = arith.constant 64 : i32
        %add3A_317 = arith.addi %add3A_298, %add3A_316 : i32
        %get3A_318 = arith.index_cast %add3A_317 : i32 to index
        %get3A_319 = tpu.vector_load %arg6[%get3A_318] {strides = array<i32>} : memref<16384xi32, #tpu.memory_space<vmem>>, vector<16xi32>,
        %add3A_320 = arith.constant 80 : i32
        %add3A_321 = arith.addi %add3A_298, %add3A_320 : i32
        %get3A_322 = arith.index_cast %add3A_321 : i32 to index
        %get3A_323 = tpu.vector_load %arg6[%get3A_322] {strides = array<i32>} : memref<16384xi32, #tpu.memory_space<vmem>>, vector<16xi32>,
        %add3A_324 = arith.constant 96 : i32
        %add3A_325 = arith.addi %add3A_298, %add3A_324 : i32
        %get3A_326 = arith.index_cast %add3A_325 : i32 to index
        %get3A_327 = tpu.vector_load %arg6[%get3A_326] {strides = array<i32>} : memref<16384xi32, #tpu.memory_space<vmem>>, vector<16xi32>,
        %add3A_328 = arith.constant 112 : i32
        %add3A_329 = arith.addi %add3A_298, %add3A_328 : i32
        %get3A_330 = arith.index_cast %add3A_329 : i32 to index
        %get3A_331 = tpu.vector_load %arg6[%get3A_330] {strides = array<i32>} : memref<16384xi32, #tpu.memory_space<vmem>>, vector<16xi32>,
        %gather3A = tpu.vector_load_idx %arg5[%get3A_303] : memref<100000xf32, #tpu.memory_space<vmem>>[vector<16xi32>], vector<16xf32>,
        %gather3A_332 = tpu.vector_load_idx %arg5[%get3A_307] : memref<100000xf32, #tpu.memory_space<vmem>>[vector<16xi32>], vector<16xf32>,
        %gather3A_333 = tpu.vector_load_idx %arg5[%get3A_311] : memref<100000xf32, #tpu.memory_space<vmem>>[vector<16xi32>], vector<16xf32>,
        %gather3A_334 = tpu.vector_load_idx %arg5[%get3A_315] : memref<100000xf32, #tpu.memory_space<vmem>>[vector<16xi32>], vector<16xf32>,
        %gather3A_335 = tpu.vector_load_idx %arg5[%get3A_319] : memref<100000xf32, #tpu.memory_space<vmem>>[vector<16xi32>], vector<16xf32>,
        %gather3A_336 = tpu.vector_load_idx %arg5[%get3A_323] : memref<100000xf32, #tpu.memory_space<vmem>>[vector<16xi32>], vector<16xf32>,
        %gather3A_337 = tpu.vector_load_idx %arg5[%get3A_327] : memref<100000xf32, #tpu.memory_space<vmem>>[vector<16xi32>], vector<16xf32>,
        %gather3A_338 = tpu.vector_load_idx %arg5[%get3A_331] : memref<100000xf32, #tpu.memory_space<vmem>>[vector<16xi32>], vector<16xf32>,
        %add3A_339 = arith.constant 0 : i32
        %add3A_340 = arith.addi %mul3A_300, %add3A_339 : i32
        %swap3A = arith.constant 0 : i32
        %swap3A_341 = arith.index_cast %swap3A : i32 to index
        %swap3A_342 = arith.index_cast %add3A_340 : i32 to index
        %swap3A_343 = tpu.vector_load %arg7[%swap3A_341, %swap3A_342] {strides = array<i32>} : memref<2x2048xf32, #tpu.memory_space<vmem>>, vector<16xf32>,
        tpu.vector_store %arg7[%swap3A_341, %swap3A_342], %gather3A {strides = array<i32>} : memref<2x2048xf32, #tpu.memory_space<vmem>>, vector<16xf32>,
        %add3A_344 = arith.constant 16 : i32
        %add3A_345 = arith.addi %mul3A_300, %add3A_344 : i32
        %swap3A_346 = arith.constant 0 : i32
        %swap3A_347 = arith.index_cast %swap3A_346 : i32 to index
        %swap3A_348 = arith.index_cast %add3A_345 : i32 to index
        %swap3A_349 = tpu.vector_load %arg7[%swap3A_347, %swap3A_348] {strides = array<i32>} : memref<2x2048xf32, #tpu.memory_space<vmem>>, vector<16xf32>,
        tpu.vector_store %arg7[%swap3A_347, %swap3A_348], %gather3A_332 {strides = array<i32>} : memref<2x2048xf32, #tpu.memory_space<vmem>>, vector<16xf32>,
        %add3A_350 = arith.constant 32 : i32
        %add3A_351 = arith.addi %mul3A_300, %add3A_350 : i32
        %swap3A_352 = arith.constant 0 : i32
        %swap3A_353 = arith.index_cast %swap3A_352 : i32 to index
        %swap3A_354 = arith.index_cast %add3A_351 : i32 to index
        %swap3A_355 = tpu.vector_load %arg7[%swap3A_353, %swap3A_354] {strides = array<i32>} : memref<2x2048xf32, #tpu.memory_space<vmem>>, vector<16xf32>,
        tpu.vector_store %arg7[%swap3A_353, %swap3A_354], %gather3A_333 {strides = array<i32>} : memref<2x2048xf32, #tpu.memory_space<vmem>>, vector<16xf32>,
        %add3A_356 = arith.constant 48 : i32
        %add3A_357 = arith.addi %mul3A_300, %add3A_356 : i32
        %swap3A_358 = arith.constant 0 : i32
        %swap3A_359 = arith.index_cast %swap3A_358 : i32 to index
        %swap3A_360 = arith.index_cast %add3A_357 : i32 to index
        %swap3A_361 = tpu.vector_load %arg7[%swap3A_359, %swap3A_360] {strides = array<i32>} : memref<2x2048xf32, #tpu.memory_space<vmem>>, vector<16xf32>,
        tpu.vector_store %arg7[%swap3A_359, %swap3A_360], %gather3A_334 {strides = array<i32>} : memref<2x2048xf32, #tpu.memory_space<vmem>>, vector<16xf32>,
        %add3A_362 = arith.constant 64 : i32
        %add3A_363 = arith.addi %mul3A_300, %add3A_362 : i32
        %swap3A_364 = arith.constant 0 : i32
        %swap3A_365 = arith.index_cast %swap3A_364 : i32 to index
        %swap3A_366 = arith.index_cast %add3A_363 : i32 to index
        %swap3A_367 = tpu.vector_load %arg7[%swap3A_365, %swap3A_366] {strides = array<i32>} : memref<2x2048xf32, #tpu.memory_space<vmem>>, vector<16xf32>,
        tpu.vector_store %arg7[%swap3A_365, %swap3A_366], %gather3A_335 {strides = array<i32>} : memref<2x2048xf32, #tpu.memory_space<vmem>>, vector<16xf32>,
        %add3A_368 = arith.constant 80 : i32
        %add3A_369 = arith.addi %mul3A_300, %add3A_368 : i32
        %swap3A_370 = arith.constant 0 : i32
        %swap3A_371 = arith.index_cast %swap3A_370 : i32 to index
        %swap3A_372 = arith.index_cast %add3A_369 : i32 to index
        %swap3A_373 = tpu.vector_load %arg7[%swap3A_371, %swap3A_372] {strides = array<i32>} : memref<2x2048xf32, #tpu.memory_space<vmem>>, vector<16xf32>,
        tpu.vector_store %arg7[%swap3A_371, %swap3A_372], %gather3A_336 {strides = array<i32>} : memref<2x2048xf32, #tpu.memory_space<vmem>>, vector<16xf32>,
        %add3A_374 = arith.constant 96 : i32
        %add3A_375 = arith.addi %mul3A_300, %add3A_374 : i32
        %swap3A_376 = arith.constant 0 : i32
        %swap3A_377 = arith.index_cast %swap3A_376 : i32 to index
        %swap3A_378 = arith.index_cast %add3A_375 : i32 to index
        %swap3A_379 = tpu.vector_load %arg7[%swap3A_377, %swap3A_378] {strides = array<i32>} : memref<2x2048xf32, #tpu.memory_space<vmem>>, vector<16xf32>,
        tpu.vector_store %arg7[%swap3A_377, %swap3A_378], %gather3A_337 {strides = array<i32>} : memref<2x2048xf32, #tpu.memory_space<vmem>>, vector<16xf32>,
        %add3A_380 = arith.constant 112 : i32
        %add3A_381 = arith.addi %mul3A_300, %add3A_380 : i32
        %swap3A_382 = arith.constant 0 : i32
        %swap3A_383 = arith.index_cast %swap3A_382 : i32 to index
        %swap3A_384 = arith.index_cast %add3A_381 : i32 to index
        %swap3A_385 = tpu.vector_load %arg7[%swap3A_383, %swap3A_384] {strides = array<i32>} : memref<2x2048xf32, #tpu.memory_space<vmem>>, vector<16xf32>,
        tpu.vector_store %arg7[%swap3A_383, %swap3A_384], %gather3A_338 {strides = array<i32>} : memref<2x2048xf32, #tpu.memory_space<vmem>>, vector<16xf32>,
      }
      %scan3A_157 = arith.constant 16 : i32
      %dma_start3A_158 = arith.constant 0 : i32
      %dma_start3A_159 = arith.constant 0 : i32
      %dma_start3A_160 = tpu.memref_slice %arg7[%dma_start3A_158, %dma_start3A_159] : memref<2x2048xf32, #tpu.memory_space<vmem>> -> memref<1x2048xf32, #tpu.memory_space<vmem>>
      %dma_start3A_161 = tpu.memref_squeeze %dma_start3A_160 : memref<1x2048xf32, #tpu.memory_space<vmem>> -> memref<2048xf32, #tpu.memory_space<vmem>>
      %dma_start3A_162 = arith.constant 8192 : i32
      %dma_start3A_163 = tpu.memref_slice %arg4[%add3A_11, %dma_start3A_162] : memref<416x16384xf32, #tpu.memory_space<hbm>> -> memref<1x2048xf32, #tpu.memory_space<hbm>>
      %dma_start3A_164 = tpu.memref_squeeze %dma_start3A_163 : memref<1x2048xf32, #tpu.memory_space<hbm>> -> memref<2048xf32, #tpu.memory_space<hbm>>
      %dma_start3A_165 = arith.constant 8192 : i32
      %dma_start3A_166 = tpu.memref_slice %arg4[%add3A_11, %dma_start3A_165] : memref<416x16384xf32, #tpu.memory_space<hbm>> -> memref<1x2048xf32, #tpu.memory_space<hbm>>
      %dma_start3A_167 = tpu.memref_squeeze %dma_start3A_166 : memref<1x2048xf32, #tpu.memory_space<hbm>> -> memref<2048xf32, #tpu.memory_space<hbm>>
      %dma_start3A_168 = arith.constant 0 : i32
      %dma_start3A_169 = tpu.memref_slice %arg7[%dma_start3A_158, %dma_start3A_168] : memref<2x2048xf32, #tpu.memory_space<vmem>> -> memref<1x2048xf32, #tpu.memory_space<vmem>>
      %dma_start3A_170 = tpu.memref_squeeze %dma_start3A_169 : memref<1x2048xf32, #tpu.memory_space<vmem>> -> memref<2048xf32, #tpu.memory_space<vmem>>
      tpu.enqueue_dma source(%dma_start3A_170 : memref<2048xf32, #tpu.memory_space<vmem>>) target(%dma_start3A_167 : memref<2048xf32, #tpu.memory_space<hbm>>) target_semaphore(%arg8 : memref<!tpu.dma_semaphore, #tpu.memory_space<semaphore_mem>>)
      %dma_wait3A_171 = arith.constant 1 : i32
      %dma_wait3A_172 = arith.constant 0 : i32
      %dma_wait3A_173 = tpu.memref_slice %arg7[%dma_wait3A_171, %dma_wait3A_172] : memref<2x2048xf32, #tpu.memory_space<vmem>> -> memref<1x2048xf32, #tpu.memory_space<vmem>>
      %dma_wait3A_174 = tpu.memref_squeeze %dma_wait3A_173 : memref<1x2048xf32, #tpu.memory_space<vmem>> -> memref<2048xf32, #tpu.memory_space<vmem>>
      %dma_wait3A_175 = arith.constant 6144 : i32
      %dma_wait3A_176 = tpu.memref_slice %arg4[%add3A_11, %dma_wait3A_175] : memref<416x16384xf32, #tpu.memory_space<hbm>> -> memref<1x2048xf32, #tpu.memory_space<hbm>>
      %dma_wait3A_177 = tpu.memref_squeeze %dma_wait3A_176 : memref<1x2048xf32, #tpu.memory_space<hbm>> -> memref<2048xf32, #tpu.memory_space<hbm>>
      %dma_wait3A_178 = arith.constant 6144 : i32
      %dma_wait3A_179 = tpu.memref_slice %arg4[%add3A_11, %dma_wait3A_178] : memref<416x16384xf32, #tpu.memory_space<hbm>> -> memref<1x2048xf32, #tpu.memory_space<hbm>>
      %dma_wait3A_180 = tpu.memref_squeeze %dma_wait3A_179 : memref<1x2048xf32, #tpu.memory_space<hbm>> -> memref<2048xf32, #tpu.memory_space<hbm>>
      %dma_wait3A_181 = arith.constant 0 : i32
      %dma_wait3A_182 = tpu.memref_slice %arg7[%dma_wait3A_171, %dma_wait3A_181] : memref<2x2048xf32, #tpu.memory_space<vmem>> -> memref<1x2048xf32, #tpu.memory_space<vmem>>
      %dma_wait3A_183 = tpu.memref_squeeze %dma_wait3A_182 : memref<1x2048xf32, #tpu.memory_space<vmem>> -> memref<2048xf32, #tpu.memory_space<vmem>>
      tpu.wait_dma2 semaphore(%arg8 : memref<!tpu.dma_semaphore, #tpu.memory_space<semaphore_mem>>) src(%dma_wait3A_183 : memref<2048xf32, #tpu.memory_space<vmem>>) dst(%dma_wait3A_180 : memref<2048xf32, #tpu.memory_space<hbm>>)
      %scan3A_184 = arith.constant 0 : i32
      %scan3A_185 = arith.constant 16 : i32
      %scan3A_186 = arith.addi %scan3A_184, %scan3A_185 : i32
      %scan3A_187 = arith.constant 1 : i32
      scf.for %scan3A_290 = %scan3A_184 to %scan3A_186 step %scan3A_187  : i32 {
        %mul3A_291 = arith.constant 1 : i32
        %mul3A_292 = arith.muli %scan3A_290, %mul3A_291 : i32
        %add3A_293 = arith.constant 0 : i32
        %add3A_294 = arith.addi %add3A_293, %mul3A_292 : i32
        %mul3A_295 = arith.constant 128 : i32
        %mul3A_296 = arith.muli %add3A_294, %mul3A_295 : i32
        %add3A_297 = arith.constant 10240 : i32
        %add3A_298 = arith.addi %add3A_297, %mul3A_296 : i32
        %mul3A_299 = arith.constant 128 : i32
        %mul3A_300 = arith.muli %add3A_294, %mul3A_299 : i32
        %add3A_301 = arith.constant 0 : i32
        %add3A_302 = arith.addi %add3A_298, %add3A_301 : i32
        %get3A = arith.index_cast %add3A_302 : i32 to index
        %get3A_303 = tpu.vector_load %arg6[%get3A] {strides = array<i32>} : memref<16384xi32, #tpu.memory_space<vmem>>, vector<16xi32>,
        %add3A_304 = arith.constant 16 : i32
        %add3A_305 = arith.addi %add3A_298, %add3A_304 : i32
        %get3A_306 = arith.index_cast %add3A_305 : i32 to index
        %get3A_307 = tpu.vector_load %arg6[%get3A_306] {strides = array<i32>} : memref<16384xi32, #tpu.memory_space<vmem>>, vector<16xi32>,
        %add3A_308 = arith.constant 32 : i32
        %add3A_309 = arith.addi %add3A_298, %add3A_308 : i32
        %get3A_310 = arith.index_cast %add3A_309 : i32 to index
        %get3A_311 = tpu.vector_load %arg6[%get3A_310] {strides = array<i32>} : memref<16384xi32, #tpu.memory_space<vmem>>, vector<16xi32>,
        %add3A_312 = arith.constant 48 : i32
        %add3A_313 = arith.addi %add3A_298, %add3A_312 : i32
        %get3A_314 = arith.index_cast %add3A_313 : i32 to index
        %get3A_315 = tpu.vector_load %arg6[%get3A_314] {strides = array<i32>} : memref<16384xi32, #tpu.memory_space<vmem>>, vector<16xi32>,
        %add3A_316 = arith.constant 64 : i32
        %add3A_317 = arith.addi %add3A_298, %add3A_316 : i32
        %get3A_318 = arith.index_cast %add3A_317 : i32 to index
        %get3A_319 = tpu.vector_load %arg6[%get3A_318] {strides = array<i32>} : memref<16384xi32, #tpu.memory_space<vmem>>, vector<16xi32>,
        %add3A_320 = arith.constant 80 : i32
        %add3A_321 = arith.addi %add3A_298, %add3A_320 : i32
        %get3A_322 = arith.index_cast %add3A_321 : i32 to index
        %get3A_323 = tpu.vector_load %arg6[%get3A_322] {strides = array<i32>} : memref<16384xi32, #tpu.memory_space<vmem>>, vector<16xi32>,
        %add3A_324 = arith.constant 96 : i32
        %add3A_325 = arith.addi %add3A_298, %add3A_324 : i32
        %get3A_326 = arith.index_cast %add3A_325 : i32 to index
        %get3A_327 = tpu.vector_load %arg6[%get3A_326] {strides = array<i32>} : memref<16384xi32, #tpu.memory_space<vmem>>, vector<16xi32>,
        %add3A_328 = arith.constant 112 : i32
        %add3A_329 = arith.addi %add3A_298, %add3A_328 : i32
        %get3A_330 = arith.index_cast %add3A_329 : i32 to index
        %get3A_331 = tpu.vector_load %arg6[%get3A_330] {strides = array<i32>} : memref<16384xi32, #tpu.memory_space<vmem>>, vector<16xi32>,
        %gather3A = tpu.vector_load_idx %arg5[%get3A_303] : memref<100000xf32, #tpu.memory_space<vmem>>[vector<16xi32>], vector<16xf32>,
        %gather3A_332 = tpu.vector_load_idx %arg5[%get3A_307] : memref<100000xf32, #tpu.memory_space<vmem>>[vector<16xi32>], vector<16xf32>,
        %gather3A_333 = tpu.vector_load_idx %arg5[%get3A_311] : memref<100000xf32, #tpu.memory_space<vmem>>[vector<16xi32>], vector<16xf32>,
        %gather3A_334 = tpu.vector_load_idx %arg5[%get3A_315] : memref<100000xf32, #tpu.memory_space<vmem>>[vector<16xi32>], vector<16xf32>,
        %gather3A_335 = tpu.vector_load_idx %arg5[%get3A_319] : memref<100000xf32, #tpu.memory_space<vmem>>[vector<16xi32>], vector<16xf32>,
        %gather3A_336 = tpu.vector_load_idx %arg5[%get3A_323] : memref<100000xf32, #tpu.memory_space<vmem>>[vector<16xi32>], vector<16xf32>,
        %gather3A_337 = tpu.vector_load_idx %arg5[%get3A_327] : memref<100000xf32, #tpu.memory_space<vmem>>[vector<16xi32>], vector<16xf32>,
        %gather3A_338 = tpu.vector_load_idx %arg5[%get3A_331] : memref<100000xf32, #tpu.memory_space<vmem>>[vector<16xi32>], vector<16xf32>,
        %add3A_339 = arith.constant 0 : i32
        %add3A_340 = arith.addi %mul3A_300, %add3A_339 : i32
        %swap3A = arith.constant 1 : i32
        %swap3A_341 = arith.index_cast %swap3A : i32 to index
        %swap3A_342 = arith.index_cast %add3A_340 : i32 to index
        %swap3A_343 = tpu.vector_load %arg7[%swap3A_341, %swap3A_342] {strides = array<i32>} : memref<2x2048xf32, #tpu.memory_space<vmem>>, vector<16xf32>,
        tpu.vector_store %arg7[%swap3A_341, %swap3A_342], %gather3A {strides = array<i32>} : memref<2x2048xf32, #tpu.memory_space<vmem>>, vector<16xf32>,
        %add3A_344 = arith.constant 16 : i32
        %add3A_345 = arith.addi %mul3A_300, %add3A_344 : i32
        %swap3A_346 = arith.constant 1 : i32
        %swap3A_347 = arith.index_cast %swap3A_346 : i32 to index
        %swap3A_348 = arith.index_cast %add3A_345 : i32 to index
        %swap3A_349 = tpu.vector_load %arg7[%swap3A_347, %swap3A_348] {strides = array<i32>} : memref<2x2048xf32, #tpu.memory_space<vmem>>, vector<16xf32>,
        tpu.vector_store %arg7[%swap3A_347, %swap3A_348], %gather3A_332 {strides = array<i32>} : memref<2x2048xf32, #tpu.memory_space<vmem>>, vector<16xf32>,
        %add3A_350 = arith.constant 32 : i32
        %add3A_351 = arith.addi %mul3A_300, %add3A_350 : i32
        %swap3A_352 = arith.constant 1 : i32
        %swap3A_353 = arith.index_cast %swap3A_352 : i32 to index
        %swap3A_354 = arith.index_cast %add3A_351 : i32 to index
        %swap3A_355 = tpu.vector_load %arg7[%swap3A_353, %swap3A_354] {strides = array<i32>} : memref<2x2048xf32, #tpu.memory_space<vmem>>, vector<16xf32>,
        tpu.vector_store %arg7[%swap3A_353, %swap3A_354], %gather3A_333 {strides = array<i32>} : memref<2x2048xf32, #tpu.memory_space<vmem>>, vector<16xf32>,
        %add3A_356 = arith.constant 48 : i32
        %add3A_357 = arith.addi %mul3A_300, %add3A_356 : i32
        %swap3A_358 = arith.constant 1 : i32
        %swap3A_359 = arith.index_cast %swap3A_358 : i32 to index
        %swap3A_360 = arith.index_cast %add3A_357 : i32 to index
        %swap3A_361 = tpu.vector_load %arg7[%swap3A_359, %swap3A_360] {strides = array<i32>} : memref<2x2048xf32, #tpu.memory_space<vmem>>, vector<16xf32>,
        tpu.vector_store %arg7[%swap3A_359, %swap3A_360], %gather3A_334 {strides = array<i32>} : memref<2x2048xf32, #tpu.memory_space<vmem>>, vector<16xf32>,
        %add3A_362 = arith.constant 64 : i32
        %add3A_363 = arith.addi %mul3A_300, %add3A_362 : i32
        %swap3A_364 = arith.constant 1 : i32
        %swap3A_365 = arith.index_cast %swap3A_364 : i32 to index
        %swap3A_366 = arith.index_cast %add3A_363 : i32 to index
        %swap3A_367 = tpu.vector_load %arg7[%swap3A_365, %swap3A_366] {strides = array<i32>} : memref<2x2048xf32, #tpu.memory_space<vmem>>, vector<16xf32>,
        tpu.vector_store %arg7[%swap3A_365, %swap3A_366], %gather3A_335 {strides = array<i32>} : memref<2x2048xf32, #tpu.memory_space<vmem>>, vector<16xf32>,
        %add3A_368 = arith.constant 80 : i32
        %add3A_369 = arith.addi %mul3A_300, %add3A_368 : i32
        %swap3A_370 = arith.constant 1 : i32
        %swap3A_371 = arith.index_cast %swap3A_370 : i32 to index
        %swap3A_372 = arith.index_cast %add3A_369 : i32 to index
        %swap3A_373 = tpu.vector_load %arg7[%swap3A_371, %swap3A_372] {strides = array<i32>} : memref<2x2048xf32, #tpu.memory_space<vmem>>, vector<16xf32>,
        tpu.vector_store %arg7[%swap3A_371, %swap3A_372], %gather3A_336 {strides = array<i32>} : memref<2x2048xf32, #tpu.memory_space<vmem>>, vector<16xf32>,
        %add3A_374 = arith.constant 96 : i32
        %add3A_375 = arith.addi %mul3A_300, %add3A_374 : i32
        %swap3A_376 = arith.constant 1 : i32
        %swap3A_377 = arith.index_cast %swap3A_376 : i32 to index
        %swap3A_378 = arith.index_cast %add3A_375 : i32 to index
        %swap3A_379 = tpu.vector_load %arg7[%swap3A_377, %swap3A_378] {strides = array<i32>} : memref<2x2048xf32, #tpu.memory_space<vmem>>, vector<16xf32>,
        tpu.vector_store %arg7[%swap3A_377, %swap3A_378], %gather3A_337 {strides = array<i32>} : memref<2x2048xf32, #tpu.memory_space<vmem>>, vector<16xf32>,
        %add3A_380 = arith.constant 112 : i32
        %add3A_381 = arith.addi %mul3A_300, %add3A_380 : i32
        %swap3A_382 = arith.constant 1 : i32
        %swap3A_383 = arith.index_cast %swap3A_382 : i32 to index
        %swap3A_384 = arith.index_cast %add3A_381 : i32 to index
        %swap3A_385 = tpu.vector_load %arg7[%swap3A_383, %swap3A_384] {strides = array<i32>} : memref<2x2048xf32, #tpu.memory_space<vmem>>, vector<16xf32>,
        tpu.vector_store %arg7[%swap3A_383, %swap3A_384], %gather3A_338 {strides = array<i32>} : memref<2x2048xf32, #tpu.memory_space<vmem>>, vector<16xf32>,
      }
      %scan3A_188 = arith.constant 16 : i32
      %dma_start3A_189 = arith.constant 1 : i32
      %dma_start3A_190 = arith.constant 0 : i32
      %dma_start3A_191 = tpu.memref_slice %arg7[%dma_start3A_189, %dma_start3A_190] : memref<2x2048xf32, #tpu.memory_space<vmem>> -> memref<1x2048xf32, #tpu.memory_space<vmem>>
      %dma_start3A_192 = tpu.memref_squeeze %dma_start3A_191 : memref<1x2048xf32, #tpu.memory_space<vmem>> -> memref<2048xf32, #tpu.memory_space<vmem>>
      %dma_start3A_193 = arith.constant 10240 : i32
      %dma_start3A_194 = tpu.memref_slice %arg4[%add3A_11, %dma_start3A_193] : memref<416x16384xf32, #tpu.memory_space<hbm>> -> memref<1x2048xf32, #tpu.memory_space<hbm>>
      %dma_start3A_195 = tpu.memref_squeeze %dma_start3A_194 : memref<1x2048xf32, #tpu.memory_space<hbm>> -> memref<2048xf32, #tpu.memory_space<hbm>>
      %dma_start3A_196 = arith.constant 10240 : i32
      %dma_start3A_197 = tpu.memref_slice %arg4[%add3A_11, %dma_start3A_196] : memref<416x16384xf32, #tpu.memory_space<hbm>> -> memref<1x2048xf32, #tpu.memory_space<hbm>>
      %dma_start3A_198 = tpu.memref_squeeze %dma_start3A_197 : memref<1x2048xf32, #tpu.memory_space<hbm>> -> memref<2048xf32, #tpu.memory_space<hbm>>
      %dma_start3A_199 = arith.constant 0 : i32
      %dma_start3A_200 = tpu.memref_slice %arg7[%dma_start3A_189, %dma_start3A_199] : memref<2x2048xf32, #tpu.memory_space<vmem>> -> memref<1x2048xf32, #tpu.memory_space<vmem>>
      %dma_start3A_201 = tpu.memref_squeeze %dma_start3A_200 : memref<1x2048xf32, #tpu.memory_space<vmem>> -> memref<2048xf32, #tpu.memory_space<vmem>>
      tpu.enqueue_dma source(%dma_start3A_201 : memref<2048xf32, #tpu.memory_space<vmem>>) target(%dma_start3A_198 : memref<2048xf32, #tpu.memory_space<hbm>>) target_semaphore(%arg8 : memref<!tpu.dma_semaphore, #tpu.memory_space<semaphore_mem>>)
      %dma_wait3A_202 = arith.constant 0 : i32
      %dma_wait3A_203 = arith.constant 0 : i32
      %dma_wait3A_204 = tpu.memref_slice %arg7[%dma_wait3A_202, %dma_wait3A_203] : memref<2x2048xf32, #tpu.memory_space<vmem>> -> memref<1x2048xf32, #tpu.memory_space<vmem>>
      %dma_wait3A_205 = tpu.memref_squeeze %dma_wait3A_204 : memref<1x2048xf32, #tpu.memory_space<vmem>> -> memref<2048xf32, #tpu.memory_space<vmem>>
      %dma_wait3A_206 = arith.constant 8192 : i32
      %dma_wait3A_207 = tpu.memref_slice %arg4[%add3A_11, %dma_wait3A_206] : memref<416x16384xf32, #tpu.memory_space<hbm>> -> memref<1x2048xf32, #tpu.memory_space<hbm>>
      %dma_wait3A_208 = tpu.memref_squeeze %dma_wait3A_207 : memref<1x2048xf32, #tpu.memory_space<hbm>> -> memref<2048xf32, #tpu.memory_space<hbm>>
      %dma_wait3A_209 = arith.constant 8192 : i32
      %dma_wait3A_210 = tpu.memref_slice %arg4[%add3A_11, %dma_wait3A_209] : memref<416x16384xf32, #tpu.memory_space<hbm>> -> memref<1x2048xf32, #tpu.memory_space<hbm>>
      %dma_wait3A_211 = tpu.memref_squeeze %dma_wait3A_210 : memref<1x2048xf32, #tpu.memory_space<hbm>> -> memref<2048xf32, #tpu.memory_space<hbm>>
      %dma_wait3A_212 = arith.constant 0 : i32
      %dma_wait3A_213 = tpu.memref_slice %arg7[%dma_wait3A_202, %dma_wait3A_212] : memref<2x2048xf32, #tpu.memory_space<vmem>> -> memref<1x2048xf32, #tpu.memory_space<vmem>>
      %dma_wait3A_214 = tpu.memref_squeeze %dma_wait3A_213 : memref<1x2048xf32, #tpu.memory_space<vmem>> -> memref<2048xf32, #tpu.memory_space<vmem>>
      tpu.wait_dma2 semaphore(%arg8 : memref<!tpu.dma_semaphore, #tpu.memory_space<semaphore_mem>>) src(%dma_wait3A_214 : memref<2048xf32, #tpu.memory_space<vmem>>) dst(%dma_wait3A_211 : memref<2048xf32, #tpu.memory_space<hbm>>)
      %scan3A_215 = arith.constant 0 : i32
      %scan3A_216 = arith.constant 16 : i32
      %scan3A_217 = arith.addi %scan3A_215, %scan3A_216 : i32
      %scan3A_218 = arith.constant 1 : i32
      scf.for %scan3A_290 = %scan3A_215 to %scan3A_217 step %scan3A_218  : i32 {
        %mul3A_291 = arith.constant 1 : i32
        %mul3A_292 = arith.muli %scan3A_290, %mul3A_291 : i32
        %add3A_293 = arith.constant 0 : i32
        %add3A_294 = arith.addi %add3A_293, %mul3A_292 : i32
        %mul3A_295 = arith.constant 128 : i32
        %mul3A_296 = arith.muli %add3A_294, %mul3A_295 : i32
        %add3A_297 = arith.constant 12288 : i32
        %add3A_298 = arith.addi %add3A_297, %mul3A_296 : i32
        %mul3A_299 = arith.constant 128 : i32
        %mul3A_300 = arith.muli %add3A_294, %mul3A_299 : i32
        %add3A_301 = arith.constant 0 : i32
        %add3A_302 = arith.addi %add3A_298, %add3A_301 : i32
        %get3A = arith.index_cast %add3A_302 : i32 to index
        %get3A_303 = tpu.vector_load %arg6[%get3A] {strides = array<i32>} : memref<16384xi32, #tpu.memory_space<vmem>>, vector<16xi32>,
        %add3A_304 = arith.constant 16 : i32
        %add3A_305 = arith.addi %add3A_298, %add3A_304 : i32
        %get3A_306 = arith.index_cast %add3A_305 : i32 to index
        %get3A_307 = tpu.vector_load %arg6[%get3A_306] {strides = array<i32>} : memref<16384xi32, #tpu.memory_space<vmem>>, vector<16xi32>,
        %add3A_308 = arith.constant 32 : i32
        %add3A_309 = arith.addi %add3A_298, %add3A_308 : i32
        %get3A_310 = arith.index_cast %add3A_309 : i32 to index
        %get3A_311 = tpu.vector_load %arg6[%get3A_310] {strides = array<i32>} : memref<16384xi32, #tpu.memory_space<vmem>>, vector<16xi32>,
        %add3A_312 = arith.constant 48 : i32
        %add3A_313 = arith.addi %add3A_298, %add3A_312 : i32
        %get3A_314 = arith.index_cast %add3A_313 : i32 to index
        %get3A_315 = tpu.vector_load %arg6[%get3A_314] {strides = array<i32>} : memref<16384xi32, #tpu.memory_space<vmem>>, vector<16xi32>,
        %add3A_316 = arith.constant 64 : i32
        %add3A_317 = arith.addi %add3A_298, %add3A_316 : i32
        %get3A_318 = arith.index_cast %add3A_317 : i32 to index
        %get3A_319 = tpu.vector_load %arg6[%get3A_318] {strides = array<i32>} : memref<16384xi32, #tpu.memory_space<vmem>>, vector<16xi32>,
        %add3A_320 = arith.constant 80 : i32
        %add3A_321 = arith.addi %add3A_298, %add3A_320 : i32
        %get3A_322 = arith.index_cast %add3A_321 : i32 to index
        %get3A_323 = tpu.vector_load %arg6[%get3A_322] {strides = array<i32>} : memref<16384xi32, #tpu.memory_space<vmem>>, vector<16xi32>,
        %add3A_324 = arith.constant 96 : i32
        %add3A_325 = arith.addi %add3A_298, %add3A_324 : i32
        %get3A_326 = arith.index_cast %add3A_325 : i32 to index
        %get3A_327 = tpu.vector_load %arg6[%get3A_326] {strides = array<i32>} : memref<16384xi32, #tpu.memory_space<vmem>>, vector<16xi32>,
        %add3A_328 = arith.constant 112 : i32
        %add3A_329 = arith.addi %add3A_298, %add3A_328 : i32
        %get3A_330 = arith.index_cast %add3A_329 : i32 to index
        %get3A_331 = tpu.vector_load %arg6[%get3A_330] {strides = array<i32>} : memref<16384xi32, #tpu.memory_space<vmem>>, vector<16xi32>,
        %gather3A = tpu.vector_load_idx %arg5[%get3A_303] : memref<100000xf32, #tpu.memory_space<vmem>>[vector<16xi32>], vector<16xf32>,
        %gather3A_332 = tpu.vector_load_idx %arg5[%get3A_307] : memref<100000xf32, #tpu.memory_space<vmem>>[vector<16xi32>], vector<16xf32>,
        %gather3A_333 = tpu.vector_load_idx %arg5[%get3A_311] : memref<100000xf32, #tpu.memory_space<vmem>>[vector<16xi32>], vector<16xf32>,
        %gather3A_334 = tpu.vector_load_idx %arg5[%get3A_315] : memref<100000xf32, #tpu.memory_space<vmem>>[vector<16xi32>], vector<16xf32>,
        %gather3A_335 = tpu.vector_load_idx %arg5[%get3A_319] : memref<100000xf32, #tpu.memory_space<vmem>>[vector<16xi32>], vector<16xf32>,
        %gather3A_336 = tpu.vector_load_idx %arg5[%get3A_323] : memref<100000xf32, #tpu.memory_space<vmem>>[vector<16xi32>], vector<16xf32>,
        %gather3A_337 = tpu.vector_load_idx %arg5[%get3A_327] : memref<100000xf32, #tpu.memory_space<vmem>>[vector<16xi32>], vector<16xf32>,
        %gather3A_338 = tpu.vector_load_idx %arg5[%get3A_331] : memref<100000xf32, #tpu.memory_space<vmem>>[vector<16xi32>], vector<16xf32>,
        %add3A_339 = arith.constant 0 : i32
        %add3A_340 = arith.addi %mul3A_300, %add3A_339 : i32
        %swap3A = arith.constant 0 : i32
        %swap3A_341 = arith.index_cast %swap3A : i32 to index
        %swap3A_342 = arith.index_cast %add3A_340 : i32 to index
        %swap3A_343 = tpu.vector_load %arg7[%swap3A_341, %swap3A_342] {strides = array<i32>} : memref<2x2048xf32, #tpu.memory_space<vmem>>, vector<16xf32>,
        tpu.vector_store %arg7[%swap3A_341, %swap3A_342], %gather3A {strides = array<i32>} : memref<2x2048xf32, #tpu.memory_space<vmem>>, vector<16xf32>,
        %add3A_344 = arith.constant 16 : i32
        %add3A_345 = arith.addi %mul3A_300, %add3A_344 : i32
        %swap3A_346 = arith.constant 0 : i32
        %swap3A_347 = arith.index_cast %swap3A_346 : i32 to index
        %swap3A_348 = arith.index_cast %add3A_345 : i32 to index
        %swap3A_349 = tpu.vector_load %arg7[%swap3A_347, %swap3A_348] {strides = array<i32>} : memref<2x2048xf32, #tpu.memory_space<vmem>>, vector<16xf32>,
        tpu.vector_store %arg7[%swap3A_347, %swap3A_348], %gather3A_332 {strides = array<i32>} : memref<2x2048xf32, #tpu.memory_space<vmem>>, vector<16xf32>,
        %add3A_350 = arith.constant 32 : i32
        %add3A_351 = arith.addi %mul3A_300, %add3A_350 : i32
        %swap3A_352 = arith.constant 0 : i32
        %swap3A_353 = arith.index_cast %swap3A_352 : i32 to index
        %swap3A_354 = arith.index_cast %add3A_351 : i32 to index
        %swap3A_355 = tpu.vector_load %arg7[%swap3A_353, %swap3A_354] {strides = array<i32>} : memref<2x2048xf32, #tpu.memory_space<vmem>>, vector<16xf32>,
        tpu.vector_store %arg7[%swap3A_353, %swap3A_354], %gather3A_333 {strides = array<i32>} : memref<2x2048xf32, #tpu.memory_space<vmem>>, vector<16xf32>,
        %add3A_356 = arith.constant 48 : i32
        %add3A_357 = arith.addi %mul3A_300, %add3A_356 : i32
        %swap3A_358 = arith.constant 0 : i32
        %swap3A_359 = arith.index_cast %swap3A_358 : i32 to index
        %swap3A_360 = arith.index_cast %add3A_357 : i32 to index
        %swap3A_361 = tpu.vector_load %arg7[%swap3A_359, %swap3A_360] {strides = array<i32>} : memref<2x2048xf32, #tpu.memory_space<vmem>>, vector<16xf32>,
        tpu.vector_store %arg7[%swap3A_359, %swap3A_360], %gather3A_334 {strides = array<i32>} : memref<2x2048xf32, #tpu.memory_space<vmem>>, vector<16xf32>,
        %add3A_362 = arith.constant 64 : i32
        %add3A_363 = arith.addi %mul3A_300, %add3A_362 : i32
        %swap3A_364 = arith.constant 0 : i32
        %swap3A_365 = arith.index_cast %swap3A_364 : i32 to index
        %swap3A_366 = arith.index_cast %add3A_363 : i32 to index
        %swap3A_367 = tpu.vector_load %arg7[%swap3A_365, %swap3A_366] {strides = array<i32>} : memref<2x2048xf32, #tpu.memory_space<vmem>>, vector<16xf32>,
        tpu.vector_store %arg7[%swap3A_365, %swap3A_366], %gather3A_335 {strides = array<i32>} : memref<2x2048xf32, #tpu.memory_space<vmem>>, vector<16xf32>,
        %add3A_368 = arith.constant 80 : i32
        %add3A_369 = arith.addi %mul3A_300, %add3A_368 : i32
        %swap3A_370 = arith.constant 0 : i32
        %swap3A_371 = arith.index_cast %swap3A_370 : i32 to index
        %swap3A_372 = arith.index_cast %add3A_369 : i32 to index
        %swap3A_373 = tpu.vector_load %arg7[%swap3A_371, %swap3A_372] {strides = array<i32>} : memref<2x2048xf32, #tpu.memory_space<vmem>>, vector<16xf32>,
        tpu.vector_store %arg7[%swap3A_371, %swap3A_372], %gather3A_336 {strides = array<i32>} : memref<2x2048xf32, #tpu.memory_space<vmem>>, vector<16xf32>,
        %add3A_374 = arith.constant 96 : i32
        %add3A_375 = arith.addi %mul3A_300, %add3A_374 : i32
        %swap3A_376 = arith.constant 0 : i32
        %swap3A_377 = arith.index_cast %swap3A_376 : i32 to index
        %swap3A_378 = arith.index_cast %add3A_375 : i32 to index
        %swap3A_379 = tpu.vector_load %arg7[%swap3A_377, %swap3A_378] {strides = array<i32>} : memref<2x2048xf32, #tpu.memory_space<vmem>>, vector<16xf32>,
        tpu.vector_store %arg7[%swap3A_377, %swap3A_378], %gather3A_337 {strides = array<i32>} : memref<2x2048xf32, #tpu.memory_space<vmem>>, vector<16xf32>,
        %add3A_380 = arith.constant 112 : i32
        %add3A_381 = arith.addi %mul3A_300, %add3A_380 : i32
        %swap3A_382 = arith.constant 0 : i32
        %swap3A_383 = arith.index_cast %swap3A_382 : i32 to index
        %swap3A_384 = arith.index_cast %add3A_381 : i32 to index
        %swap3A_385 = tpu.vector_load %arg7[%swap3A_383, %swap3A_384] {strides = array<i32>} : memref<2x2048xf32, #tpu.memory_space<vmem>>, vector<16xf32>,
        tpu.vector_store %arg7[%swap3A_383, %swap3A_384], %gather3A_338 {strides = array<i32>} : memref<2x2048xf32, #tpu.memory_space<vmem>>, vector<16xf32>,
      }
      %scan3A_219 = arith.constant 16 : i32
      %dma_start3A_220 = arith.constant 0 : i32
      %dma_start3A_221 = arith.constant 0 : i32
      %dma_start3A_222 = tpu.memref_slice %arg7[%dma_start3A_220, %dma_start3A_221] : memref<2x2048xf32, #tpu.memory_space<vmem>> -> memref<1x2048xf32, #tpu.memory_space<vmem>>
      %dma_start3A_223 = tpu.memref_squeeze %dma_start3A_222 : memref<1x2048xf32, #tpu.memory_space<vmem>> -> memref<2048xf32, #tpu.memory_space<vmem>>
      %dma_start3A_224 = arith.constant 12288 : i32
      %dma_start3A_225 = tpu.memref_slice %arg4[%add3A_11, %dma_start3A_224] : memref<416x16384xf32, #tpu.memory_space<hbm>> -> memref<1x2048xf32, #tpu.memory_space<hbm>>
      %dma_start3A_226 = tpu.memref_squeeze %dma_start3A_225 : memref<1x2048xf32, #tpu.memory_space<hbm>> -> memref<2048xf32, #tpu.memory_space<hbm>>
      %dma_start3A_227 = arith.constant 12288 : i32
      %dma_start3A_228 = tpu.memref_slice %arg4[%add3A_11, %dma_start3A_227] : memref<416x16384xf32, #tpu.memory_space<hbm>> -> memref<1x2048xf32, #tpu.memory_space<hbm>>
      %dma_start3A_229 = tpu.memref_squeeze %dma_start3A_228 : memref<1x2048xf32, #tpu.memory_space<hbm>> -> memref<2048xf32, #tpu.memory_space<hbm>>
      %dma_start3A_230 = arith.constant 0 : i32
      %dma_start3A_231 = tpu.memref_slice %arg7[%dma_start3A_220, %dma_start3A_230] : memref<2x2048xf32, #tpu.memory_space<vmem>> -> memref<1x2048xf32, #tpu.memory_space<vmem>>
      %dma_start3A_232 = tpu.memref_squeeze %dma_start3A_231 : memref<1x2048xf32, #tpu.memory_space<vmem>> -> memref<2048xf32, #tpu.memory_space<vmem>>
      tpu.enqueue_dma source(%dma_start3A_232 : memref<2048xf32, #tpu.memory_space<vmem>>) target(%dma_start3A_229 : memref<2048xf32, #tpu.memory_space<hbm>>) target_semaphore(%arg8 : memref<!tpu.dma_semaphore, #tpu.memory_space<semaphore_mem>>)
      %dma_wait3A_233 = arith.constant 1 : i32
      %dma_wait3A_234 = arith.constant 0 : i32
      %dma_wait3A_235 = tpu.memref_slice %arg7[%dma_wait3A_233, %dma_wait3A_234] : memref<2x2048xf32, #tpu.memory_space<vmem>> -> memref<1x2048xf32, #tpu.memory_space<vmem>>
      %dma_wait3A_236 = tpu.memref_squeeze %dma_wait3A_235 : memref<1x2048xf32, #tpu.memory_space<vmem>> -> memref<2048xf32, #tpu.memory_space<vmem>>
      %dma_wait3A_237 = arith.constant 10240 : i32
      %dma_wait3A_238 = tpu.memref_slice %arg4[%add3A_11, %dma_wait3A_237] : memref<416x16384xf32, #tpu.memory_space<hbm>> -> memref<1x2048xf32, #tpu.memory_space<hbm>>
      %dma_wait3A_239 = tpu.memref_squeeze %dma_wait3A_238 : memref<1x2048xf32, #tpu.memory_space<hbm>> -> memref<2048xf32, #tpu.memory_space<hbm>>
      %dma_wait3A_240 = arith.constant 10240 : i32
      %dma_wait3A_241 = tpu.memref_slice %arg4[%add3A_11, %dma_wait3A_240] : memref<416x16384xf32, #tpu.memory_space<hbm>> -> memref<1x2048xf32, #tpu.memory_space<hbm>>
      %dma_wait3A_242 = tpu.memref_squeeze %dma_wait3A_241 : memref<1x2048xf32, #tpu.memory_space<hbm>> -> memref<2048xf32, #tpu.memory_space<hbm>>
      %dma_wait3A_243 = arith.constant 0 : i32
      %dma_wait3A_244 = tpu.memref_slice %arg7[%dma_wait3A_233, %dma_wait3A_243] : memref<2x2048xf32, #tpu.memory_space<vmem>> -> memref<1x2048xf32, #tpu.memory_space<vmem>>
      %dma_wait3A_245 = tpu.memref_squeeze %dma_wait3A_244 : memref<1x2048xf32, #tpu.memory_space<vmem>> -> memref<2048xf32, #tpu.memory_space<vmem>>
      tpu.wait_dma2 semaphore(%arg8 : memref<!tpu.dma_semaphore, #tpu.memory_space<semaphore_mem>>) src(%dma_wait3A_245 : memref<2048xf32, #tpu.memory_space<vmem>>) dst(%dma_wait3A_242 : memref<2048xf32, #tpu.memory_space<hbm>>)
      %scan3A_246 = arith.constant 0 : i32
      %scan3A_247 = arith.constant 16 : i32
      %scan3A_248 = arith.addi %scan3A_246, %scan3A_247 : i32
      %scan3A_249 = arith.constant 1 : i32
      scf.for %scan3A_290 = %scan3A_246 to %scan3A_248 step %scan3A_249  : i32 {
        %mul3A_291 = arith.constant 1 : i32
        %mul3A_292 = arith.muli %scan3A_290, %mul3A_291 : i32
        %add3A_293 = arith.constant 0 : i32
        %add3A_294 = arith.addi %add3A_293, %mul3A_292 : i32
        %mul3A_295 = arith.constant 128 : i32
        %mul3A_296 = arith.muli %add3A_294, %mul3A_295 : i32
        %add3A_297 = arith.constant 14336 : i32
        %add3A_298 = arith.addi %add3A_297, %mul3A_296 : i32
        %mul3A_299 = arith.constant 128 : i32
        %mul3A_300 = arith.muli %add3A_294, %mul3A_299 : i32
        %add3A_301 = arith.constant 0 : i32
        %add3A_302 = arith.addi %add3A_298, %add3A_301 : i32
        %get3A = arith.index_cast %add3A_302 : i32 to index
        %get3A_303 = tpu.vector_load %arg6[%get3A] {strides = array<i32>} : memref<16384xi32, #tpu.memory_space<vmem>>, vector<16xi32>,
        %add3A_304 = arith.constant 16 : i32
        %add3A_305 = arith.addi %add3A_298, %add3A_304 : i32
        %get3A_306 = arith.index_cast %add3A_305 : i32 to index
        %get3A_307 = tpu.vector_load %arg6[%get3A_306] {strides = array<i32>} : memref<16384xi32, #tpu.memory_space<vmem>>, vector<16xi32>,
        %add3A_308 = arith.constant 32 : i32
        %add3A_309 = arith.addi %add3A_298, %add3A_308 : i32
        %get3A_310 = arith.index_cast %add3A_309 : i32 to index
        %get3A_311 = tpu.vector_load %arg6[%get3A_310] {strides = array<i32>} : memref<16384xi32, #tpu.memory_space<vmem>>, vector<16xi32>,
        %add3A_312 = arith.constant 48 : i32
        %add3A_313 = arith.addi %add3A_298, %add3A_312 : i32
        %get3A_314 = arith.index_cast %add3A_313 : i32 to index
        %get3A_315 = tpu.vector_load %arg6[%get3A_314] {strides = array<i32>} : memref<16384xi32, #tpu.memory_space<vmem>>, vector<16xi32>,
        %add3A_316 = arith.constant 64 : i32
        %add3A_317 = arith.addi %add3A_298, %add3A_316 : i32
        %get3A_318 = arith.index_cast %add3A_317 : i32 to index
        %get3A_319 = tpu.vector_load %arg6[%get3A_318] {strides = array<i32>} : memref<16384xi32, #tpu.memory_space<vmem>>, vector<16xi32>,
        %add3A_320 = arith.constant 80 : i32
        %add3A_321 = arith.addi %add3A_298, %add3A_320 : i32
        %get3A_322 = arith.index_cast %add3A_321 : i32 to index
        %get3A_323 = tpu.vector_load %arg6[%get3A_322] {strides = array<i32>} : memref<16384xi32, #tpu.memory_space<vmem>>, vector<16xi32>,
        %add3A_324 = arith.constant 96 : i32
        %add3A_325 = arith.addi %add3A_298, %add3A_324 : i32
        %get3A_326 = arith.index_cast %add3A_325 : i32 to index
        %get3A_327 = tpu.vector_load %arg6[%get3A_326] {strides = array<i32>} : memref<16384xi32, #tpu.memory_space<vmem>>, vector<16xi32>,
        %add3A_328 = arith.constant 112 : i32
        %add3A_329 = arith.addi %add3A_298, %add3A_328 : i32
        %get3A_330 = arith.index_cast %add3A_329 : i32 to index
        %get3A_331 = tpu.vector_load %arg6[%get3A_330] {strides = array<i32>} : memref<16384xi32, #tpu.memory_space<vmem>>, vector<16xi32>,
        %gather3A = tpu.vector_load_idx %arg5[%get3A_303] : memref<100000xf32, #tpu.memory_space<vmem>>[vector<16xi32>], vector<16xf32>,
        %gather3A_332 = tpu.vector_load_idx %arg5[%get3A_307] : memref<100000xf32, #tpu.memory_space<vmem>>[vector<16xi32>], vector<16xf32>,
        %gather3A_333 = tpu.vector_load_idx %arg5[%get3A_311] : memref<100000xf32, #tpu.memory_space<vmem>>[vector<16xi32>], vector<16xf32>,
        %gather3A_334 = tpu.vector_load_idx %arg5[%get3A_315] : memref<100000xf32, #tpu.memory_space<vmem>>[vector<16xi32>], vector<16xf32>,
        %gather3A_335 = tpu.vector_load_idx %arg5[%get3A_319] : memref<100000xf32, #tpu.memory_space<vmem>>[vector<16xi32>], vector<16xf32>,
        %gather3A_336 = tpu.vector_load_idx %arg5[%get3A_323] : memref<100000xf32, #tpu.memory_space<vmem>>[vector<16xi32>], vector<16xf32>,
        %gather3A_337 = tpu.vector_load_idx %arg5[%get3A_327] : memref<100000xf32, #tpu.memory_space<vmem>>[vector<16xi32>], vector<16xf32>,
        %gather3A_338 = tpu.vector_load_idx %arg5[%get3A_331] : memref<100000xf32, #tpu.memory_space<vmem>>[vector<16xi32>], vector<16xf32>,
        %add3A_339 = arith.constant 0 : i32
        %add3A_340 = arith.addi %mul3A_300, %add3A_339 : i32
        %swap3A = arith.constant 1 : i32
        %swap3A_341 = arith.index_cast %swap3A : i32 to index
        %swap3A_342 = arith.index_cast %add3A_340 : i32 to index
        %swap3A_343 = tpu.vector_load %arg7[%swap3A_341, %swap3A_342] {strides = array<i32>} : memref<2x2048xf32, #tpu.memory_space<vmem>>, vector<16xf32>,
        tpu.vector_store %arg7[%swap3A_341, %swap3A_342], %gather3A {strides = array<i32>} : memref<2x2048xf32, #tpu.memory_space<vmem>>, vector<16xf32>,
        %add3A_344 = arith.constant 16 : i32
        %add3A_345 = arith.addi %mul3A_300, %add3A_344 : i32
        %swap3A_346 = arith.constant 1 : i32
        %swap3A_347 = arith.index_cast %swap3A_346 : i32 to index
        %swap3A_348 = arith.index_cast %add3A_345 : i32 to index
        %swap3A_349 = tpu.vector_load %arg7[%swap3A_347, %swap3A_348] {strides = array<i32>} : memref<2x2048xf32, #tpu.memory_space<vmem>>, vector<16xf32>,
        tpu.vector_store %arg7[%swap3A_347, %swap3A_348], %gather3A_332 {strides = array<i32>} : memref<2x2048xf32, #tpu.memory_space<vmem>>, vector<16xf32>,
        %add3A_350 = arith.constant 32 : i32
        %add3A_351 = arith.addi %mul3A_300, %add3A_350 : i32
        %swap3A_352 = arith.constant 1 : i32
        %swap3A_353 = arith.index_cast %swap3A_352 : i32 to index
        %swap3A_354 = arith.index_cast %add3A_351 : i32 to index
        %swap3A_355 = tpu.vector_load %arg7[%swap3A_353, %swap3A_354] {strides = array<i32>} : memref<2x2048xf32, #tpu.memory_space<vmem>>, vector<16xf32>,
        tpu.vector_store %arg7[%swap3A_353, %swap3A_354], %gather3A_333 {strides = array<i32>} : memref<2x2048xf32, #tpu.memory_space<vmem>>, vector<16xf32>,
        %add3A_356 = arith.constant 48 : i32
        %add3A_357 = arith.addi %mul3A_300, %add3A_356 : i32
        %swap3A_358 = arith.constant 1 : i32
        %swap3A_359 = arith.index_cast %swap3A_358 : i32 to index
        %swap3A_360 = arith.index_cast %add3A_357 : i32 to index
        %swap3A_361 = tpu.vector_load %arg7[%swap3A_359, %swap3A_360] {strides = array<i32>} : memref<2x2048xf32, #tpu.memory_space<vmem>>, vector<16xf32>,
        tpu.vector_store %arg7[%swap3A_359, %swap3A_360], %gather3A_334 {strides = array<i32>} : memref<2x2048xf32, #tpu.memory_space<vmem>>, vector<16xf32>,
        %add3A_362 = arith.constant 64 : i32
        %add3A_363 = arith.addi %mul3A_300, %add3A_362 : i32
        %swap3A_364 = arith.constant 1 : i32
        %swap3A_365 = arith.index_cast %swap3A_364 : i32 to index
        %swap3A_366 = arith.index_cast %add3A_363 : i32 to index
        %swap3A_367 = tpu.vector_load %arg7[%swap3A_365, %swap3A_366] {strides = array<i32>} : memref<2x2048xf32, #tpu.memory_space<vmem>>, vector<16xf32>,
        tpu.vector_store %arg7[%swap3A_365, %swap3A_366], %gather3A_335 {strides = array<i32>} : memref<2x2048xf32, #tpu.memory_space<vmem>>, vector<16xf32>,
        %add3A_368 = arith.constant 80 : i32
        %add3A_369 = arith.addi %mul3A_300, %add3A_368 : i32
        %swap3A_370 = arith.constant 1 : i32
        %swap3A_371 = arith.index_cast %swap3A_370 : i32 to index
        %swap3A_372 = arith.index_cast %add3A_369 : i32 to index
        %swap3A_373 = tpu.vector_load %arg7[%swap3A_371, %swap3A_372] {strides = array<i32>} : memref<2x2048xf32, #tpu.memory_space<vmem>>, vector<16xf32>,
        tpu.vector_store %arg7[%swap3A_371, %swap3A_372], %gather3A_336 {strides = array<i32>} : memref<2x2048xf32, #tpu.memory_space<vmem>>, vector<16xf32>,
        %add3A_374 = arith.constant 96 : i32
        %add3A_375 = arith.addi %mul3A_300, %add3A_374 : i32
        %swap3A_376 = arith.constant 1 : i32
        %swap3A_377 = arith.index_cast %swap3A_376 : i32 to index
        %swap3A_378 = arith.index_cast %add3A_375 : i32 to index
        %swap3A_379 = tpu.vector_load %arg7[%swap3A_377, %swap3A_378] {strides = array<i32>} : memref<2x2048xf32, #tpu.memory_space<vmem>>, vector<16xf32>,
        tpu.vector_store %arg7[%swap3A_377, %swap3A_378], %gather3A_337 {strides = array<i32>} : memref<2x2048xf32, #tpu.memory_space<vmem>>, vector<16xf32>,
        %add3A_380 = arith.constant 112 : i32
        %add3A_381 = arith.addi %mul3A_300, %add3A_380 : i32
        %swap3A_382 = arith.constant 1 : i32
        %swap3A_383 = arith.index_cast %swap3A_382 : i32 to index
        %swap3A_384 = arith.index_cast %add3A_381 : i32 to index
        %swap3A_385 = tpu.vector_load %arg7[%swap3A_383, %swap3A_384] {strides = array<i32>} : memref<2x2048xf32, #tpu.memory_space<vmem>>, vector<16xf32>,
        tpu.vector_store %arg7[%swap3A_383, %swap3A_384], %gather3A_338 {strides = array<i32>} : memref<2x2048xf32, #tpu.memory_space<vmem>>, vector<16xf32>,
      }
      %scan3A_250 = arith.constant 16 : i32
      %dma_start3A_251 = arith.constant 1 : i32
      %dma_start3A_252 = arith.constant 0 : i32
      %dma_start3A_253 = tpu.memref_slice %arg7[%dma_start3A_251, %dma_start3A_252] : memref<2x2048xf32, #tpu.memory_space<vmem>> -> memref<1x2048xf32, #tpu.memory_space<vmem>>
      %dma_start3A_254 = tpu.memref_squeeze %dma_start3A_253 : memref<1x2048xf32, #tpu.memory_space<vmem>> -> memref<2048xf32, #tpu.memory_space<vmem>>
      %dma_start3A_255 = arith.constant 14336 : i32
      %dma_start3A_256 = tpu.memref_slice %arg4[%add3A_11, %dma_start3A_255] : memref<416x16384xf32, #tpu.memory_space<hbm>> -> memref<1x2048xf32, #tpu.memory_space<hbm>>
      %dma_start3A_257 = tpu.memref_squeeze %dma_start3A_256 : memref<1x2048xf32, #tpu.memory_space<hbm>> -> memref<2048xf32, #tpu.memory_space<hbm>>
      %dma_start3A_258 = arith.constant 14336 : i32
      %dma_start3A_259 = tpu.memref_slice %arg4[%add3A_11, %dma_start3A_258] : memref<416x16384xf32, #tpu.memory_space<hbm>> -> memref<1x2048xf32, #tpu.memory_space<hbm>>
      %dma_start3A_260 = tpu.memref_squeeze %dma_start3A_259 : memref<1x2048xf32, #tpu.memory_space<hbm>> -> memref<2048xf32, #tpu.memory_space<hbm>>
      %dma_start3A_261 = arith.constant 0 : i32
      %dma_start3A_262 = tpu.memref_slice %arg7[%dma_start3A_251, %dma_start3A_261] : memref<2x2048xf32, #tpu.memory_space<vmem>> -> memref<1x2048xf32, #tpu.memory_space<vmem>>
      %dma_start3A_263 = tpu.memref_squeeze %dma_start3A_262 : memref<1x2048xf32, #tpu.memory_space<vmem>> -> memref<2048xf32, #tpu.memory_space<vmem>>
      tpu.enqueue_dma source(%dma_start3A_263 : memref<2048xf32, #tpu.memory_space<vmem>>) target(%dma_start3A_260 : memref<2048xf32, #tpu.memory_space<hbm>>) target_semaphore(%arg8 : memref<!tpu.dma_semaphore, #tpu.memory_space<semaphore_mem>>)
      %dma_wait3A_264 = arith.constant 0 : i32
      %dma_wait3A_265 = arith.constant 0 : i32
      %dma_wait3A_266 = tpu.memref_slice %arg7[%dma_wait3A_264, %dma_wait3A_265] : memref<2x2048xf32, #tpu.memory_space<vmem>> -> memref<1x2048xf32, #tpu.memory_space<vmem>>
      %dma_wait3A_267 = tpu.memref_squeeze %dma_wait3A_266 : memref<1x2048xf32, #tpu.memory_space<vmem>> -> memref<2048xf32, #tpu.memory_space<vmem>>
      %dma_wait3A_268 = arith.constant 0 : i32
      %dma_wait3A_269 = tpu.memref_slice %arg4[%add3A_11, %dma_wait3A_268] : memref<416x16384xf32, #tpu.memory_space<hbm>> -> memref<1x2048xf32, #tpu.memory_space<hbm>>
      %dma_wait3A_270 = tpu.memref_squeeze %dma_wait3A_269 : memref<1x2048xf32, #tpu.memory_space<hbm>> -> memref<2048xf32, #tpu.memory_space<hbm>>
      %dma_wait3A_271 = arith.constant 0 : i32
      %dma_wait3A_272 = tpu.memref_slice %arg4[%add3A_11, %dma_wait3A_271] : memref<416x16384xf32, #tpu.memory_space<hbm>> -> memref<1x2048xf32, #tpu.memory_space<hbm>>
      %dma_wait3A_273 = tpu.memref_squeeze %dma_wait3A_272 : memref<1x2048xf32, #tpu.memory_space<hbm>> -> memref<2048xf32, #tpu.memory_space<hbm>>
      %dma_wait3A_274 = arith.constant 0 : i32
      %dma_wait3A_275 = tpu.memref_slice %arg7[%dma_wait3A_264, %dma_wait3A_274] : memref<2x2048xf32, #tpu.memory_space<vmem>> -> memref<1x2048xf32, #tpu.memory_space<vmem>>
      %dma_wait3A_276 = tpu.memref_squeeze %dma_wait3A_275 : memref<1x2048xf32, #tpu.memory_space<vmem>> -> memref<2048xf32, #tpu.memory_space<vmem>>
      tpu.wait_dma2 semaphore(%arg8 : memref<!tpu.dma_semaphore, #tpu.memory_space<semaphore_mem>>) src(%dma_wait3A_276 : memref<2048xf32, #tpu.memory_space<vmem>>) dst(%dma_wait3A_273 : memref<2048xf32, #tpu.memory_space<hbm>>)
      %dma_wait3A_277 = arith.constant 1 : i32
      %dma_wait3A_278 = arith.constant 0 : i32
      %dma_wait3A_279 = tpu.memref_slice %arg7[%dma_wait3A_277, %dma_wait3A_278] : memref<2x2048xf32, #tpu.memory_space<vmem>> -> memref<1x2048xf32, #tpu.memory_space<vmem>>
      %dma_wait3A_280 = tpu.memref_squeeze %dma_wait3A_279 : memref<1x2048xf32, #tpu.memory_space<vmem>> -> memref<2048xf32, #tpu.memory_space<vmem>>
      %dma_wait3A_281 = arith.constant 0 : i32
      %dma_wait3A_282 = tpu.memref_slice %arg4[%add3A_11, %dma_wait3A_281] : memref<416x16384xf32, #tpu.memory_space<hbm>> -> memref<1x2048xf32, #tpu.memory_space<hbm>>
      %dma_wait3A_283 = tpu.memref_squeeze %dma_wait3A_282 : memref<1x2048xf32, #tpu.memory_space<hbm>> -> memref<2048xf32, #tpu.memory_space<hbm>>
      %dma_wait3A_284 = arith.constant 0 : i32
      %dma_wait3A_285 = tpu.memref_slice %arg4[%add3A_11, %dma_wait3A_284] : memref<416x16384xf32, #tpu.memory_space<hbm>> -> memref<1x2048xf32, #tpu.memory_space<hbm>>
      %dma_wait3A_286 = tpu.memref_squeeze %dma_wait3A_285 : memref<1x2048xf32, #tpu.memory_space<hbm>> -> memref<2048xf32, #tpu.memory_space<hbm>>
      %dma_wait3A_287 = arith.constant 0 : i32
      %dma_wait3A_288 = tpu.memref_slice %arg7[%dma_wait3A_277, %dma_wait3A_287] : memref<2x2048xf32, #tpu.memory_space<vmem>> -> memref<1x2048xf32, #tpu.memory_space<vmem>>
      %dma_wait3A_289 = tpu.memref_squeeze %dma_wait3A_288 : memref<1x2048xf32, #tpu.memory_space<vmem>> -> memref<2048xf32, #tpu.memory_space<vmem>>
      tpu.wait_dma2 semaphore(%arg8 : memref<!tpu.dma_semaphore, #tpu.memory_space<semaphore_mem>>) src(%dma_wait3A_289 : memref<2048xf32, #tpu.memory_space<vmem>>) dst(%dma_wait3A_286 : memref<2048xf32, #tpu.memory_space<hbm>>)
      scf.yield %select_n3A : i32
    }
    %scan3A_8 = arith.constant 13 : i32
    return
  }
}

</mosaic_0001>

<sc_bundles>
// kernel: kernel.3.cloned.1.call-start
scs
__scs_entry_jumppad:
0x0: {  	(pc) =	sbr.rel $0x88, $3  }
0x1: {  	(tag) =	ssettag $0x0;
	lr =	simm.s32 $0x1  }
0x2: {  	[smem:$0x3F9F] =	sst lr;
	_ =	strace $0xD0000000  }
0x3: {  	_ = 	snop  }
0x4: {  	_ = 	snop  }
0x5: {  	_ = 	snop  }
0x6: {  	_ = 	snop  }
0x7: {  	_ = 	snop  }
__scs_overlays_trampoline_lowered:
0x8: {  	[smem:$0x3FAE] =	sst s0  }
0x9: {  	[smem:$0x3FAF] =	sst s1  }
0xa: {  	[smem:$0x3FB0] =	sst s2  }
0xb: {  	[smem:$0x3FB1] =	sst s3  }
0xc: {  	[smem:$0x3FB2] =	sst s4  }
0xd: {  	[smem:$0x3FB3] =	sst s5  }
0xe: {  	[smem:$0x3FB4] =	sst s6  }
0xf: {  	[smem:$0x3FB5] =	sst s7  }
0x10: {  	[smem:$0x3FB6] =	sst s8  }
0x11: {  	[smem:$0x3FB7] =	sst s9;
	s0 =	simm.s32 @!p0 $0x0  }
0x12: {  	s1 =	sld [smem:$0x3F9D];
	s0 =	simm.s32 @p0 $0x1  }
0x13: {  	[smem:$0x3FB8] =	sst s0;
	s0 =	simm.s32 @!p1 $0x0  }
0x14: {  	s2 =	sld [smem:$0x3F9C];
	s0 =	simm.s32 @p1 $0x1  }
0x15: {  	[smem:$0x3FB9] =	sst s0;
	s0 =	simm.s32 @!p2 $0x0  }
0x16: {  	s3 =	sld [smem:$0x3FDB];
	s0 =	simm.s32 @p2 $0x1  }
0x17: {  	s4 =	simm.s32 $0x1BF5;
	[smem:$0x3FBB] =	sst s0  }
0x18: {  	s0 =	sld [smem:$0x3F9E];
	_ =	swait.ge [sflag:s4], $0x0  }
0x19: {  	s7 =	sld [smem:$0x3F9F]  }
0x1a: {  	s8 =	sadd.s32 $0xFFFFE003, lr  }
0x1b: {  	s9 =	sadd.s32 $0xFFFFFEF7, lr;
	s5 =	simm.s32 $0xFFFFFFFF;
	p2 =	slt.u32 s8, $0xFFFFF086  }
0x1c: {  	p1 =	slt.u32 s9, $0xF7A;
	s5 =	simm.s32 @!p2 $0x0  }
0x1d: {  	s5 =	simm.s32 @p1 $0x1;
	p0 =	seq.s32 s7, s2  }
0x1e: {  	s7 =	smul.u32 @!p0 $0xF7A, s2;
	p2 =	seq.s32 @!p0 s5, $0x0  }
0x1f: {  	s9 =	smul.u32 $0xF7A, s1;
	s8 =	simm.s32 @!p0 $0x1BF5;
	p2 =	por !p2, p0  }
0x20: {  	[sflag:s8] =	ssyncset.s32 @!p0 $0xFFFFF086;
	s6 =	sadd.s32 @!p0 s3, s7;
	s7 =	simm.s32 @!p0 $0x108  }
0x21: {  	s3 =	sadd.s32 s3, s9;
	s6 =	sadd.s32 @!p0 $0x88, s6;
	s7 =	simm.s32 @p2 $0x1082  }
0x22: {  	[simem:s7], [sflag:s8] =	dma.local @!p0 [hbm:s6], $0xF7A  }
0x23: {  	s9 =	sor.u32 $0xD0000000, s2;
	s6 =	simm.s32 $0x108;
	_ =	swait.ge @!p0 [sflag:s8], $0x0  }
0x24: {  	s3 =	sadd.s32 $0x88, s3;
	s6 =	simm.s32 @!p1 $0x1082;
	[sflag:s4] =	ssyncset.s32 $0xFFFFF086  }
0x25: {  	[simem:s6], [sflag:s4] =	dma.local [hbm:s3], $0xF7A  }
0x26: {  	[smem:$0x3F9F] =	sst s1;
	(tag) =	ssettag s2;
	_ =	strace s9  }
0x27: {  	s1 =	sld [smem:$0x3FAF]  }
0x28: {  	s2 =	sld [smem:$0x3FB0]  }
0x29: {  	s4 =	sld [smem:$0x3FB2]  }
0x2a: {  	p0 =	seq.s32 s5, $0x0;
	s5 =	sld [smem:$0x3FB3]  }
0x2b: {  	s6 =	sld [smem:$0x3FB4]  }
0x2c: {  	s7 =	sld [smem:$0x3FB5]  }
0x2d: {  	s3 =	simm.s32 $0x108;
	s8 =	sld [smem:$0x3FB6]  }
0x2e: {  	s3 =	simm.s32 @!p0 $0x1082;
	s9 =	sld [smem:$0x3FB7]  }
0x2f: {  	lr =	sadd.s32 s0, s3;
	s0 =	sld [smem:$0x3FAE]  }
0x30: {  	s3 =	sld [smem:$0x3FB1]  }
0x31: {  	[smem:$0x3FBA] =	sst s10  }
0x32: {  	s10 =	sld [smem:$0x3FB8];
	_ =	sdelay $0x3  }
0x33: {  	p0 =	seq.s32 s10, $0x1;
	s10 =	sld [smem:$0x3FBA];
	_ =	sdelay $0x3  }
0x34: {  	[smem:$0x3FBA] =	sst s10  }
0x35: {  	s10 =	sld [smem:$0x3FB9];
	_ =	sdelay $0x3  }
0x36: {  	p1 =	seq.s32 s10, $0x1;
	s10 =	sld [smem:$0x3FBA];
	_ =	sdelay $0x3  }
0x37: {  	[smem:$0x3FBA] =	sst s10  }
0x38: {  	s10 =	sld [smem:$0x3FBB]  }
0x39: {  	_ = 	snop;
	(pc) =	sbr.ind lr, $3  }
0x3a: {  	_ = 	snop  }
0x3b: {  	_ = 	snop  }
0x3c: {  	p2 =	seq.s32 s10, $0x1;
	s10 =	sld [smem:$0x3FBA]  }
0x3d: {  	_ =	shalt  }
0x3e: {  	_ =	shalt  }
0x3f: {  	_ =	shalt  }
0x40: {  	_ =	shalt  }
0x41: {  	_ =	shalt  }
0x42: {  	_ =	shalt  }
0x43: {  	_ =	shalt  }
0x44: {  	_ =	shalt  }
0x45: {  	_ =	shalt  }
0x46: {  	_ =	shalt  }
0x47: {  	_ =	shalt  }
0x48: {  	_ =	shalt  }
0x49: {  	_ =	shalt  }
0x4a: {  	_ =	shalt  }
0x4b: {  	_ =	shalt  }
0x4c: {  	_ =	shalt  }
0x4d: {  	_ =	shalt  }
0x4e: {  	_ =	shalt  }
0x4f: {  	_ =	shalt  }
0x50: {  	_ =	shalt  }
0x51: {  	_ =	shalt  }
0x52: {  	_ =	shalt  }
0x53: {  	_ =	shalt  }
0x54: {  	_ =	shalt  }
0x55: {  	_ =	shalt  }
0x56: {  	_ =	shalt  }
0x57: {  	_ =	shalt  }
0x58: {  	_ =	shalt  }
0x59: {  	_ =	shalt  }
0x5a: {  	_ =	shalt  }
0x5b: {  	_ =	shalt  }
0x5c: {  	_ =	shalt  }
0x5d: {  	_ =	shalt  }
0x5e: {  	_ =	shalt  }
0x5f: {  	_ =	shalt  }
0x60: {  	_ =	shalt  }
0x61: {  	_ =	shalt  }
0x62: {  	_ =	shalt  }
0x63: {  	_ =	shalt  }
0x64: {  	_ =	shalt  }
0x65: {  	_ =	shalt  }
0x66: {  	_ =	shalt  }
0x67: {  	_ =	shalt  }
0x68: {  	_ =	shalt  }
0x69: {  	_ =	shalt  }
0x6a: {  	_ =	shalt  }
0x6b: {  	_ =	shalt  }
0x6c: {  	_ =	shalt  }
0x6d: {  	_ =	shalt  }
0x6e: {  	_ =	shalt  }
0x6f: {  	_ =	shalt  }
0x70: {  	_ =	shalt  }
0x71: {  	_ =	shalt  }
0x72: {  	_ =	shalt  }
0x73: {  	_ =	shalt  }
0x74: {  	_ =	shalt  }
0x75: {  	_ =	shalt  }
0x76: {  	_ =	shalt  }
0x77: {  	_ =	shalt  }
0x78: {  	_ =	shalt  }
0x79: {  	_ =	shalt  }
0x7a: {  	_ =	shalt  }
0x7b: {  	_ =	shalt  }
0x7c: {  	_ =	shalt  }
0x7d: {  	_ =	shalt  }
0x7e: {  	_ =	shalt  }
0x7f: {  	_ =	shalt  }
0x80: {  	_ =	shalt  }
0x81: {  	_ =	shalt  }
0x82: {  	_ =	shalt  }
0x83: {  	_ =	shalt  }
0x84: {  	_ =	shalt  }
0x85: {  	_ =	shalt  }
0x86: {  	_ =	shalt  }
0x87: {  	_ =	shalt  }
.Lfunc_end0:
.L_simem_size_0:
called_computation_lowered:
.L_overlay_start_0:
0x88: {  	s2 =	sld [smem:$0x3FD9]  }
0x89: {  	s3 =	sld [smem:$0x3FFE];
	_ =	sdelay $0x1  }
0x8a: {  	s1 =	srdreg.scid  }
0x8b: {  	s0 =	sand.u32 $0x1, s1  }
0x8c: {  	s18 =	sshll.u32 s0, $0xA;
	s2 =	sadd.s32 s3, s2  }
0x8d: {  	s2 =	sadd.s32 s2, s18  }
0x8e: {  	[smem:$0x3FC6] =	sst s2  }
0x8f: {  	_ = 	snop  }
0x90: {  	s2 =	sld [smem:$0x3FC9]  }
0x91: {  	s19 =	sld [smem:$0x3FC8]  }
0x92: {  	s4 =	sld [smem:$0x3FD0];
	(tm) =	ssettm $0x1  }
0x93: {  	s5 =	sld [smem:$0x3FFB];
	_ =	sdelay $0x3  }
0x94: {  	_ =	strace s5  }
0x95: {  	s5 =	sld [smem:$0x3FFC];
	_ =	sdelay $0x3  }
0x96: {  	_ =	strace s5  }
0x97: {  	s5 =	sld [smem:$0x3FFD];
	_ =	sdelay $0x3  }
0x98: {  	_ =	strace s5  }
0x99: {  	_ =	strace $0x8FFFFFFF  }
0x9a: {  	s20 =	sld [smem:$0x3FDB];
	_ =	sdelay $0x1  }
0x9b: {  	s6 =	simm.s32 $_scs_section_size  }
0x9c: {  	s7 =	simm.s32 $_size__tile_overlayer_lowered;
	s8 =	simm.s32 $_tile_overlayer_lowered  }
0x9d: {  	s23 =	simm.s32 $0x1BFF;
	s22 =	sshll.u32 s8, $0x1;
	s5 =	sadd.s32 s6, s20  }
0x9e: {  	s9 =	simm.s32 $0x0;
	s21 =	sshll.u32 s7, $0x1;
	s7 =	sadd.s32 s22, s5  }
0x9f: {  	[timem:s9], [sflag:s23] =	dma.local [hbm:s7], s21  }
0xa0: {  	_ =	swait.ge [sflag:s23], s21  }
0xa1: {  	s6 =	ssub.s32 $0x0, s21;
	[sflag:s23] =	ssyncset.done $0x0  }
0xa2: {  	[sflag:s23] =	ssyncadd.s32 s6;
	_ =	sdelay $0x1  }
0xa3: {  	s24 =	simm.s32 $0x1B8B  }
0xa4: {  	_ =	swait.ge [sflag:s24], $0x1  }
0xa5: {  	[sflag:s24] =	ssyncset.done $0x0  }
0xa6: {  	s25 =	simm.s32 $0x1B8E;
	[sflag:s24] =	ssyncadd.s32 $0xFFFFFFFF  }
0xa7: {  	s26 =	simm.s32 $execute0_lowered;
	[smem:$0x3FD2] =	sst s25  }
0xa8: {  	s6 =	sshll.u32 s26, $0x1;
	_ =	strace $0x80000046;
	[dreg:$0x1] =	wrdreg $0xFFFFFFFF  }
0xa9: {  	s28 =	simm.s32 $_size_execute0_lowered;
	s5 =	sadd.s32 s5, s6;
	[dreg:$0x0] =	wrdreg $0x0  }
0xaa: {  	s6 =	sshll.u32 s28, $0x1;
	[dreg:$0x2] =	wrdreg s5  }
0xab: {  	[dreg:$0x3] =	wrdreg s6  }
0xac: {  	[dreg:$0x4] =	wrdreg $0xC0  }
0xad: {  	_ =	task [dreg:s9], $0x5FFFF  }
0xae: {  	[dreg:$0x1] =	wrdreg $0xFFFFFFFF  }
0xaf: {  	[dreg:$0x0] =	wrdreg $0x60  }
0xb0: {  	[dreg:$0x2] =	wrdreg s2  }
0xb1: {  	[dreg:$0x3] =	wrdreg s19  }
0xb2: {  	[dreg:$0x4] =	wrdreg s4  }
0xb3: {  	[dreg:$0x5] =	wrdreg $0x9  }
0xb4: {  	_ =	task.clear_ibuf [dreg:s9], $0x6FFFF;
	_ =	strace $0x90000046  }
0xb5: {  	s29 =	simm.s32 $0x9;
	_ =	strace $0x80000048  }
0xb6: {  	_ =	swait.ge [sflag:s29], $0x1  }
0xb7: {  	[sflag:s29] =	ssyncadd.s32 $0xFFFFFFFF  }
0xb8: {  	_ =	strace $0x90000048  }
0xb9: {  	_ =	sfence  }
0xba: {  	s30 =	sld [smem:$0x0];
	_ =	sdelay $0x2  }
0xbb: {  	s31 =	sshll.u32 s1, $0xD;
	s1 =	sshrl.u32 s1, $0x2  }
0xbc: {  	s3 =	sand.u32 $0x4000, s31;
	s1 =	sadd.s32 s1, s30  }
0xbd: {  	s0 =	sor.u32 s3, s0;
	s1 =	sshll.u32 s1, $0x11  }
0xbe: {  	s0 =	sor.u32 s1, s0  }
0xbf: {  	s0 =	sadd.s32 $0x8F2B, s0  }
0xc0: {  	[sflag:s0] =	ssyncadd.remote.s32 $0x1  }
0xc1: {  	_ =	sfence.sel $0xFFFF  }
0xc2: {  	[dreg:$0x0] =	wrdreg $0xFFFFFFFF;
	(pc) =	sbr.abs _section_cstart, $3  }
0xc3: {  	[dreg:$0x1] =	wrdreg $0xFFFFFFFF  }
0xc4: {  	_ =	task.clear_ibuf [dreg:s9], $0x2FFFF;
	_ =	strace $0x9FFFFFFF  }
0xc5: {  	(tm) =	ssettm $0x7FFFFFFF  }
tec
execute0_lowered:
.L_overlay_start_1:
0x0: {  	(tag) =	ssettag $0x1  }
0x1: {  	s29 =	rddreg [dreg:$0x2]  }
0x2: {  	s0 =	srdreg.scid;
	s5 =	simm.s32 $0x0;
	s3 =	stileid.u32  }
0x3: {  	s31 =	simm.s32 $0x1D400;
	s4 =	simm.s32 $0x1D600;
	s13 =	simm.s32 $0x1C780  }
0x4: {  	s14 =	simm.s32 $0x1CA80;
	s15 =	simm.s32 $0x1CB80;
	s6 =	simm.s32 $0x1CD80  }
0x5: {  	s7 =	simm.s32 $0x1CE80;
	s8 =	simm.s32 $0x1CF80;
	s9 =	simm.s32 $0x1D080  }
0x6: {  	s10 =	simm.s32 $0x1D180;
	s11 =	simm.s32 $0x1D280;
	s12 =	simm.s32 $0x1D380  }
0x7: {  	s16 =	simm.s32 $0x1D480;
	s17 =	simm.s32 $0x1D580;
	s18 =	simm.s32 $0x1D680  }
0x8: {  	s19 =	simm.s32 $0x1;
	s21 =	simm.s32 $0x0;
	s0 =	sand.u32 $0x1, s0  }
0x9: {  	[smem:$0x7FF] =	sst s5;
	s3 =	sshll.u32 s3, $0x1;
	s22 =	sadd.s32 $0x800, s29  }
0xa: {  	s23 =	sadd.s32 $0x1000, s29;
	_ =	strace $0x80000047;
	[dreg:$0x5] =	wrdreg s22  }
0xb: {  	s24 =	sadd.s32 $0x1800, s29;
	s25 =	sadd.s32 $0x2000, s29;
	[dreg:$0x6] =	wrdreg s23  }
0xc: {  	s26 =	sadd.s32 $0x2800, s29;
	s28 =	sadd.s32 $0x3000, s29;
	[dreg:$0x7] =	wrdreg s24  }
0xd: {  	s1 =	ssub.s32 $0x2, s0;
	s0 =	sor.u32 s0, s3;
	[dreg:$0x8] =	wrdreg s25  }
0xe: {  	[dreg:$0x9] =	wrdreg s26;
	s2 =	sshrl.u32 s1, $0x1;
	s0 =	smul.u32 $0xD, s0  }
0xf: {  	[dreg:$0xa] =	wrdreg s28;
	s3 =	simm.s32 $0x1CC80;
	s1 =	ssub.s32 s1, s2  }
0x10: {  	s2 =	simm.s32 $0x1C980;
	[dreg:$0x4] =	wrdreg s0;
	s30 =	smax.u32 s1, $0x1  }
0x11: {  	s0 =	simm.s32 $0x1D500;
	s1 =	simm.s32 $0x1C880;
	[dreg:$0xb] =	wrdreg s30  }
.LBB2_1:
0x12: {  	[dreg:$0xc] =	wrdreg s21;
	s21 =	simm.s32 $0xFFFFFFFF;
	s20 =	simm.s32 $0x0  }
.LBB2_2:
0x13: {  	s25 =	rddreg [dreg:$0x4]  }
0x14: {  	s23 =	sadd.s32 s25, s20  }
0x15: {  	s22 =	smov.u32 s21;
	s21 =	sshrl.u32 s23, $0x4  }
0x16: {  	p0 =	seq.s32 s21, s22  }
0x17: {  	s25 =	rddreg [dreg:$0x0];
	s22 =	sshll.u32 @!p0 s21, $0xB;
	s24 =	sand.u32 @!p0 $0x70, s23  }
0x18: {  	s26 =	simm.s32 @!p0 $0x18700;
	s22 =	sand.u32 @!p0 $0xFFFC000, s22;
	s24 =	sadd.s32 @!p0 s25, s24  }
0x19: {  	s25 =	simm.s32 @!p0 $0x400;
	s22 =	sadd.s32 @!p0 s22, s24;
	s24 =	simm.s32 @!p0 $0x80  }
0x1a: {  	[tilespmem:s26], [sflag:$0x2] =	stream.strided.gather @!p0 [hbm4b:s22+s24], $0x4000, s25, s24, $0x38;
	[tilespmem:$0x1D700] =	vst v63  }
0x1b: {  	s26 =	sshll.u32 s23, $0x1C  }
0x1c: {  	s28 =	smul.u32 $0x187000, s21;
	s22 =	sshra.s32 s26, $0x1F;
	s26 =	simm.s32 @!p0 $0x2  }
0x1d: {  	s30 =	sshll.u32 s23, $0x7;
	s22 =	sand.u32 $0xC3800, s22;
	_ =	swait.ge @!p0 [sflag:s26], $0x4000  }
0x1e: {  	s24 =	sadd.s32 s28, s22;
	s22 =	sand.u32 $0x380, s30;
	[sflag:s26] =	ssyncset.done @!p0 $0x0  }
0x1f: {  	s24 =	sor.u32 s22, s24;
	[sflag:s26] =	ssyncadd.s32 @!p0 $0xFFFFC000  }
0x20: {  	s30 =	simm.s32 $0x80;
	s24 =	sshrl.u32 s24, $0x3;
	s28 =	rddreg [dreg:$0x1]  }
0x21: {  	s25 =	sadd.s32 s28, s24;
	s24 =	simm.s32 $0x0;
	s28 =	simm.s32 $0x400  }
0x22: {  	[tilespmem:s24], [sflag:$0x2] =	stream.strided.gather [hbm4b:s25+s30], $0x18700, s28, s30, $0x38;
	[tilespmem:$0x1D700] =	vst v63  }
0x23: {  	s30 =	simm.s32 $0x2  }
0x24: {  	_ =	swait.ge [sflag:s30], $0x18700  }
0x25: {  	[sflag:s30] =	ssyncset.done $0x0  }
0x26: {  	s25 =	simm.s32 $0x18740;
	[sflag:s30] =	ssyncadd.s32 $0xFFFE7900  }
0x27: {  	v0 =	vld [tilespmem:s25+$0xFFFFFFC0]  }
0x28: {  	s26 =	simm.s32 $0x400;
	v1 =	vld [tilespmem:s25+$0x30]  }
.LBB2_3:
0x29: {  	p0 =	sne.s32 s26, $0x3C00;
	v2 =	vld [tilespmem:s25+$0xFFFFFFD0]  }
0x2a: {  	v3 =	vld [tilespmem:s25+$0xFFFFFFE0]  }
0x2b: {  	v4 =	vld [tilespmem:s25+$0xFFFFFFF0]  }
0x2c: {  	v5 =	vld [tilespmem:s25+$0x0]  }
0x2d: {  	v6 =	vld [tilespmem:s25+$0x10]  }
0x2e: {  	v7 =	vld [tilespmem:s25+$0x20]  }
0x2f: {  	v0 =	vld.idx.msk [tilespmem:v0+s5+$0x0], $0xffff  }
0x30: {  	v1 =	vld.idx.msk [tilespmem:v1+s5+$0x0], $0xffff  }
0x31: {  	v2 =	vld.idx.msk [tilespmem:v2+s5+$0x0], $0xffff  }
0x32: {  	v3 =	vld.idx.msk [tilespmem:v3+s5+$0x0], $0xffff  }
0x33: {  	v4 =	vld.idx.msk [tilespmem:v4+s5+$0x0], $0xffff  }
0x34: {  	v5 =	vld.idx.msk [tilespmem:v5+s5+$0x0], $0xffff  }
0x35: {  	s28 =	sshra.s32 s24, $0x2;
	s24 =	smov.u32 s26;
	v6 =	vld.idx.msk [tilespmem:v6+s5+$0x0], $0xffff  }
0x36: {  	v7 =	vld.idx.msk [tilespmem:v7+s5+$0x0], $0xffff;
	[tilespmem:s28+$0x1C770] =	vst v1  }
0x37: {  	[tilespmem:s28+$0x1C700] =	vst v0  }
0x38: {  	[tilespmem:s28+$0x1C710] =	vst v2  }
0x39: {  	[tilespmem:s28+$0x1C720] =	vst v3  }
0x3a: {  	[tilespmem:s28+$0x1C730] =	vst v4  }
.Ltmp0:
0x3b: {  	[tilespmem:s28+$0x1C740] =	vst v5;
	(pc) =	sbr.rel @p0 .LBB2_3-.Ltmp0, $4  }
0x3c: {  	[tilespmem:s28+$0x1C750] =	vst v6  }
0x3d: {  	s25 =	sadd.s32 $0x80, s25;
	[tilespmem:s28+$0x1C760] =	vst v7  }
0x3e: {  	v0 =	vld [tilespmem:s25+$0xFFFFFFC0]  }
0x3f: {  	s26 =	sadd.s32 $0x400, s26;
	v1 =	vld [tilespmem:s25+$0x30]  }
0x40: {  	_ = 	snop  }
0x41: {  	v2 =	vld [tilespmem:s25+$0xFFFFFFD0]  }
0x42: {  	v3 =	vld [tilespmem:s25+$0xFFFFFFE0]  }
0x43: {  	v4 =	vld [tilespmem:s25+$0xFFFFFFF0]  }
0x44: {  	v5 =	vld [tilespmem:s25+$0x0]  }
0x45: {  	v6 =	vld [tilespmem:s25+$0x10]  }
0x46: {  	v7 =	vld [tilespmem:s25+$0x20]  }
0x47: {  	v0 =	vld.idx.msk [tilespmem:v0+s5+$0x0], $0xffff  }
0x48: {  	v1 =	vld.idx.msk [tilespmem:v1+s5+$0x0], $0xffff  }
0x49: {  	v2 =	vld.idx.msk [tilespmem:v2+s5+$0x0], $0xffff  }
0x4a: {  	v3 =	vld.idx.msk [tilespmem:v3+s5+$0x0], $0xffff  }
0x4b: {  	v4 =	vld.idx.msk [tilespmem:v4+s5+$0x0], $0xffff  }
0x4c: {  	v5 =	vld.idx.msk [tilespmem:v5+s5+$0x0], $0xffff  }
0x4d: {  	s25 =	sshra.s32 s24, $0x2;
	v6 =	vld.idx.msk [tilespmem:v6+s5+$0x0], $0xffff  }
0x4e: {  	v7 =	vld.idx.msk [tilespmem:v7+s5+$0x0], $0xffff;
	[tilespmem:s25+$0x1C700] =	vst v0  }
0x4f: {  	[tilespmem:s25+$0x1C770] =	vst v1  }
0x50: {  	[tilespmem:s25+$0x1C710] =	vst v2  }
0x51: {  	s23 =	sshll.u32 s23, $0xE;
	[tilespmem:s25+$0x1C720] =	vst v3  }
0x52: {  	s26 =	sand.u32 $0x7FFE0000, s23;
	[tilespmem:s25+$0x1C730] =	vst v4  }
0x53: {  	s24 =	sor.u32 s22, s26;
	[tilespmem:s25+$0x1C740] =	vst v5  }
0x54: {  	s24 =	sshrl.u32 s24, $0x3;
	[tilespmem:s25+$0x1C750] =	vst v6  }
0x55: {  	s28 =	simm.s32 $0x1C700;
	s26 =	simm.s32 $0x0;
	[tilespmem:s25+$0x1C760] =	vst v7;
	s25 =	sadd.s32 s29, s24  }
0x56: {  	[hbm4b:s25+s26] =	stream.linear.scatter [tilespmem:s28], [sflag:$0x1], $0x80, $0x38;
	[tilespmem:$0x1D700] =	vst v63  }
0x57: {  	s30 =	smov.u32 s29;
	s29 =	simm.s32 $0x1C800;
	s28 =	sadd.s32 $0x80, s25  }
0x58: {  	[hbm4b:s28+s26] =	stream.linear.scatter [tilespmem:s29], [sflag:$0x1], $0x80, $0x38;
	[tilespmem:$0x1D700] =	vst v63  }
0x59: {  	s28 =	sadd.s32 $0x100, s25;
	s29 =	simm.s32 $0x1C900  }
0x5a: {  	[hbm4b:s28+s26] =	stream.linear.scatter [tilespmem:s29], [sflag:$0x1], $0x80, $0x38;
	[tilespmem:$0x1D700] =	vst v63  }
0x5b: {  	s28 =	sadd.s32 $0x180, s25;
	s29 =	simm.s32 $0x1CA00  }
0x5c: {  	[hbm4b:s28+s26] =	stream.linear.scatter [tilespmem:s29], [sflag:$0x1], $0x80, $0x38;
	[tilespmem:$0x1D700] =	vst v63  }
0x5d: {  	s28 =	sadd.s32 $0x200, s25;
	s29 =	simm.s32 $0x1CB00  }
0x5e: {  	[hbm4b:s28+s26] =	stream.linear.scatter [tilespmem:s29], [sflag:$0x1], $0x80, $0x38;
	[tilespmem:$0x1D700] =	vst v63  }
0x5f: {  	s28 =	sadd.s32 $0x280, s25;
	s29 =	simm.s32 $0x1CC00  }
0x60: {  	[hbm4b:s28+s26] =	stream.linear.scatter [tilespmem:s29], [sflag:$0x1], $0x80, $0x38;
	[tilespmem:$0x1D700] =	vst v63  }
0x61: {  	s28 =	sadd.s32 $0x300, s25;
	s29 =	simm.s32 $0x1CD00  }
0x62: {  	[hbm4b:s28+s26] =	stream.linear.scatter [tilespmem:s29], [sflag:$0x1], $0x80, $0x38;
	[tilespmem:$0x1D700] =	vst v63  }
0x63: {  	s28 =	sadd.s32 $0x380, s25;
	s29 =	simm.s32 $0x1CE00  }
0x64: {  	[hbm4b:s28+s26] =	stream.linear.scatter [tilespmem:s29], [sflag:$0x1], $0x80, $0x38;
	[tilespmem:$0x1D700] =	vst v63  }
0x65: {  	s28 =	sadd.s32 $0x400, s25;
	s29 =	simm.s32 $0x1CF00  }
0x66: {  	[hbm4b:s28+s26] =	stream.linear.scatter [tilespmem:s29], [sflag:$0x1], $0x80, $0x38;
	[tilespmem:$0x1D700] =	vst v63  }
0x67: {  	s28 =	sadd.s32 $0x480, s25;
	s29 =	simm.s32 $0x1D000  }
0x68: {  	[hbm4b:s28+s26] =	stream.linear.scatter [tilespmem:s29], [sflag:$0x1], $0x80, $0x38;
	[tilespmem:$0x1D700] =	vst v63  }
0x69: {  	s28 =	sadd.s32 $0x500, s25;
	s29 =	simm.s32 $0x1D100  }
0x6a: {  	[hbm4b:s28+s26] =	stream.linear.scatter [tilespmem:s29], [sflag:$0x1], $0x80, $0x38;
	[tilespmem:$0x1D700] =	vst v63  }
0x6b: {  	s28 =	sadd.s32 $0x580, s25;
	s29 =	simm.s32 $0x1D200  }
0x6c: {  	[hbm4b:s28+s26] =	stream.linear.scatter [tilespmem:s29], [sflag:$0x1], $0x80, $0x38;
	[tilespmem:$0x1D700] =	vst v63  }
0x6d: {  	s28 =	sadd.s32 $0x600, s25;
	s29 =	simm.s32 $0x1D300  }
0x6e: {  	[hbm4b:s28+s26] =	stream.linear.scatter [tilespmem:s29], [sflag:$0x1], $0x80, $0x38;
	[tilespmem:$0x1D700] =	vst v63  }
0x6f: {  	s28 =	sadd.s32 $0x680, s25  }
0x70: {  	[hbm4b:s28+s26] =	stream.linear.scatter [tilespmem:s31], [sflag:$0x1], $0x80, $0x38;
	[tilespmem:$0x1D700] =	vst v63  }
0x71: {  	s28 =	sadd.s32 $0x700, s25  }
0x72: {  	[hbm4b:s28+s26] =	stream.linear.scatter [tilespmem:s0], [sflag:$0x1], $0x80, $0x38;
	[tilespmem:$0x1D700] =	vst v63  }
0x73: {  	s29 =	simm.s32 $0x0;
	s25 =	sadd.s32 $0x780, s25  }
0x74: {  	[hbm4b:s25+s26] =	stream.linear.scatter [tilespmem:s4], [sflag:$0x1], $0x80, $0x38;
	[tilespmem:$0x1D700] =	vst v63  }
0x75: {  	v0 =	vld [tilespmem:s29+$0x18F00]  }
0x76: {  	v1 =	vld [tilespmem:s29+$0x18F70]  }
0x77: {  	v2 =	vld [tilespmem:s29+$0x18F10]  }
0x78: {  	v3 =	vld [tilespmem:s29+$0x18F20]  }
0x79: {  	v4 =	vld [tilespmem:s29+$0x18F30]  }
0x7a: {  	v5 =	vld [tilespmem:s29+$0x18F40]  }
0x7b: {  	v6 =	vld [tilespmem:s29+$0x18F50]  }
0x7c: {  	v7 =	vld [tilespmem:s29+$0x18F60]  }
0x7d: {  	v0 =	vld.idx.msk [tilespmem:v0+s5+$0x0], $0xffff  }
0x7e: {  	v1 =	vld.idx.msk [tilespmem:v1+s5+$0x0], $0xffff  }
0x7f: {  	v2 =	vld.idx.msk [tilespmem:v2+s5+$0x0], $0xffff  }
0x80: {  	v3 =	vld.idx.msk [tilespmem:v3+s5+$0x0], $0xffff  }
0x81: {  	v4 =	vld.idx.msk [tilespmem:v4+s5+$0x0], $0xffff  }
0x82: {  	v5 =	vld.idx.msk [tilespmem:v5+s5+$0x0], $0xffff  }
0x83: {  	s25 =	simm.s32 $0x1C7F0;
	v6 =	vld.idx.msk [tilespmem:v6+s5+$0x0], $0xffff  }
0x84: {  	v7 =	vld.idx.msk [tilespmem:v7+s5+$0x0], $0xffff;
	[tilespmem:s25+$0x0] =	vst v1  }
0x85: {  	[tilespmem:s25+$0xFFFFFF90] =	vst v0  }
0x86: {  	[tilespmem:s25+$0xFFFFFFA0] =	vst v2  }
0x87: {  	[tilespmem:s25+$0xFFFFFFB0] =	vst v3  }
0x88: {  	[tilespmem:s25+$0xFFFFFFC0] =	vst v4  }
0x89: {  	[tilespmem:s25+$0xFFFFFFD0] =	vst v5  }
0x8a: {  	[tilespmem:s25+$0xFFFFFFE0] =	vst v6  }
0x8b: {  	s28 =	simm.s32 $0x80;
	[tilespmem:s25+$0xFFFFFFF0] =	vst v7  }
0x8c: {  	s26 =	simm.s32 $0x400;
	v0 =	vld [tilespmem:s28+$0x18F00]  }
.LBB2_5:
0x8d: {  	p0 =	sne.s32 s26, $0x1E00;
	v1 =	vld [tilespmem:s28+$0x18F70]  }
0x8e: {  	v2 =	vld [tilespmem:s28+$0x18F10]  }
0x8f: {  	v3 =	vld [tilespmem:s28+$0x18F20]  }
0x90: {  	v4 =	vld [tilespmem:s28+$0x18F30]  }
0x91: {  	v5 =	vld [tilespmem:s28+$0x18F40]  }
0x92: {  	v6 =	vld [tilespmem:s28+$0x18F50]  }
0x93: {  	v7 =	vld [tilespmem:s28+$0x18F60]  }
0x94: {  	v0 =	vld.idx.msk [tilespmem:v0+s5+$0x0], $0xffff  }
0x95: {  	v1 =	vld.idx.msk [tilespmem:v1+s5+$0x0], $0xffff  }
0x96: {  	v2 =	vld.idx.msk [tilespmem:v2+s5+$0x0], $0xffff  }
0x97: {  	v3 =	vld.idx.msk [tilespmem:v3+s5+$0x0], $0xffff  }
0x98: {  	v4 =	vld.idx.msk [tilespmem:v4+s5+$0x0], $0xffff  }
0x99: {  	v5 =	vld.idx.msk [tilespmem:v5+s5+$0x0], $0xffff  }
0x9a: {  	s25 =	sadd.s32 $0x100, s25;
	v6 =	vld.idx.msk [tilespmem:v6+s5+$0x0], $0xffff  }
0x9b: {  	v7 =	vld.idx.msk [tilespmem:v7+s5+$0x0], $0xffff;
	[tilespmem:s25+$0x0] =	vst v1  }
0x9c: {  	[tilespmem:s25+$0xFFFFFF90] =	vst v0  }
0x9d: {  	[tilespmem:s25+$0xFFFFFFA0] =	vst v2  }
0x9e: {  	[tilespmem:s25+$0xFFFFFFB0] =	vst v3  }
.Ltmp1:
0x9f: {  	[tilespmem:s25+$0xFFFFFFC0] =	vst v4;
	(pc) =	sbr.rel @p0 .LBB2_5-.Ltmp1, $4  }
0xa0: {  	[tilespmem:s25+$0xFFFFFFD0] =	vst v5  }
0xa1: {  	[tilespmem:s25+$0xFFFFFFE0] =	vst v6  }
0xa2: {  	s28 =	sshra.s32 s26, $0x2;
	[tilespmem:s25+$0xFFFFFFF0] =	vst v7  }
0xa3: {  	s26 =	sadd.s32 $0x200, s26;
	v0 =	vld [tilespmem:s28+$0x18F00]  }
0xa4: {  	_ = 	snop  }
0xa5: {  	v1 =	vld [tilespmem:s28+$0x18F70]  }
0xa6: {  	v2 =	vld [tilespmem:s28+$0x18F10]  }
0xa7: {  	v3 =	vld [tilespmem:s28+$0x18F20]  }
0xa8: {  	v4 =	vld [tilespmem:s28+$0x18F30]  }
0xa9: {  	v5 =	vld [tilespmem:s28+$0x18F40]  }
0xaa: {  	v6 =	vld [tilespmem:s28+$0x18F50]  }
0xab: {  	v7 =	vld [tilespmem:s28+$0x18F60]  }
0xac: {  	v0 =	vld.idx.msk [tilespmem:v0+s5+$0x0], $0xffff  }
0xad: {  	v1 =	vld.idx.msk [tilespmem:v1+s5+$0x0], $0xffff  }
0xae: {  	v2 =	vld.idx.msk [tilespmem:v2+s5+$0x0], $0xffff  }
0xaf: {  	v3 =	vld.idx.msk [tilespmem:v3+s5+$0x0], $0xffff  }
0xb0: {  	v4 =	vld.idx.msk [tilespmem:v4+s5+$0x0], $0xffff  }
0xb1: {  	v5 =	vld.idx.msk [tilespmem:v5+s5+$0x0], $0xffff  }
0xb2: {  	s25 =	sadd.s32 $0x100, s25;
	v6 =	vld.idx.msk [tilespmem:v6+s5+$0x0], $0xffff  }
0xb3: {  	v7 =	vld.idx.msk [tilespmem:v7+s5+$0x0], $0xffff;
	[tilespmem:s25+$0xFFFFFF90] =	vst v0  }
0xb4: {  	[tilespmem:s25+$0x0] =	vst v1  }
0xb5: {  	[tilespmem:s25+$0xFFFFFFA0] =	vst v2  }
0xb6: {  	[tilespmem:s25+$0xFFFFFFB0] =	vst v3  }
0xb7: {  	[tilespmem:s25+$0xFFFFFFC0] =	vst v4  }
0xb8: {  	[tilespmem:s25+$0xFFFFFFD0] =	vst v5  }
0xb9: {  	s29 =	rddreg [dreg:$0x5];
	[tilespmem:s25+$0xFFFFFFE0] =	vst v6  }
0xba: {  	s26 =	sadd.s32 s24, s29;
	[tilespmem:s25+$0xFFFFFFF0] =	vst v7;
	s25 =	simm.s32 $0x0  }
0xbb: {  	[hbm4b:s26+s25] =	stream.linear.scatter [tilespmem:s13], [sflag:$0x1], $0x80, $0x38;
	[tilespmem:$0x1D700] =	vst v63  }
0xbc: {  	s28 =	sadd.s32 $0x80, s26  }
0xbd: {  	[hbm4b:s28+s25] =	stream.linear.scatter [tilespmem:s1], [sflag:$0x1], $0x80, $0x38;
	[tilespmem:$0x1D700] =	vst v63  }
0xbe: {  	s28 =	sadd.s32 $0x100, s26  }
0xbf: {  	[hbm4b:s28+s25] =	stream.linear.scatter [tilespmem:s2], [sflag:$0x1], $0x80, $0x38;
	[tilespmem:$0x1D700] =	vst v63  }
0xc0: {  	s28 =	sadd.s32 $0x180, s26  }
0xc1: {  	[hbm4b:s28+s25] =	stream.linear.scatter [tilespmem:s14], [sflag:$0x1], $0x80, $0x38;
	[tilespmem:$0x1D700] =	vst v63  }
0xc2: {  	s28 =	sadd.s32 $0x200, s26  }
0xc3: {  	[hbm4b:s28+s25] =	stream.linear.scatter [tilespmem:s15], [sflag:$0x1], $0x80, $0x38;
	[tilespmem:$0x1D700] =	vst v63  }
0xc4: {  	s28 =	sadd.s32 $0x280, s26  }
0xc5: {  	[hbm4b:s28+s25] =	stream.linear.scatter [tilespmem:s3], [sflag:$0x1], $0x80, $0x38;
	[tilespmem:$0x1D700] =	vst v63  }
0xc6: {  	s28 =	sadd.s32 $0x300, s26  }
0xc7: {  	[hbm4b:s28+s25] =	stream.linear.scatter [tilespmem:s6], [sflag:$0x1], $0x80, $0x38;
	[tilespmem:$0x1D700] =	vst v63  }
0xc8: {  	s28 =	sadd.s32 $0x380, s26  }
0xc9: {  	[hbm4b:s28+s25] =	stream.linear.scatter [tilespmem:s7], [sflag:$0x1], $0x80, $0x38;
	[tilespmem:$0x1D700] =	vst v63  }
0xca: {  	s28 =	sadd.s32 $0x400, s26  }
0xcb: {  	[hbm4b:s28+s25] =	stream.linear.scatter [tilespmem:s8], [sflag:$0x1], $0x80, $0x38;
	[tilespmem:$0x1D700] =	vst v63  }
0xcc: {  	s28 =	sadd.s32 $0x480, s26  }
0xcd: {  	[hbm4b:s28+s25] =	stream.linear.scatter [tilespmem:s9], [sflag:$0x1], $0x80, $0x38;
	[tilespmem:$0x1D700] =	vst v63  }
0xce: {  	s28 =	sadd.s32 $0x500, s26  }
0xcf: {  	[hbm4b:s28+s25] =	stream.linear.scatter [tilespmem:s10], [sflag:$0x1], $0x80, $0x38;
	[tilespmem:$0x1D700] =	vst v63  }
0xd0: {  	s28 =	sadd.s32 $0x580, s26  }
0xd1: {  	[hbm4b:s28+s25] =	stream.linear.scatter [tilespmem:s11], [sflag:$0x1], $0x80, $0x38;
	[tilespmem:$0x1D700] =	vst v63  }
0xd2: {  	s28 =	sadd.s32 $0x600, s26  }
0xd3: {  	[hbm4b:s28+s25] =	stream.linear.scatter [tilespmem:s12], [sflag:$0x1], $0x80, $0x38;
	[tilespmem:$0x1D700] =	vst v63  }
0xd4: {  	s28 =	sadd.s32 $0x680, s26  }
0xd5: {  	[hbm4b:s28+s25] =	stream.linear.scatter [tilespmem:s16], [sflag:$0x1], $0x80, $0x38;
	[tilespmem:$0x1D700] =	vst v63  }
0xd6: {  	s28 =	sadd.s32 $0x700, s26  }
0xd7: {  	[hbm4b:s28+s25] =	stream.linear.scatter [tilespmem:s17], [sflag:$0x1], $0x80, $0x38;
	[tilespmem:$0x1D700] =	vst v63  }
0xd8: {  	s26 =	sadd.s32 $0x780, s26  }
0xd9: {  	[hbm4b:s26+s25] =	stream.linear.scatter [tilespmem:s18], [sflag:$0x1], $0x80, $0x38;
	[tilespmem:$0x1D700] =	vst v63  }
0xda: {  	_ =	swait.ge [sflag:s19], $0x800  }
0xdb: {  	[sflag:s19] =	ssyncset.done $0x0  }
0xdc: {  	s26 =	simm.s32 $0x19770;
	[sflag:s19] =	ssyncadd.s32 $0xFFFFF800  }
0xdd: {  	v0 =	vld [tilespmem:s26+$0xFFFFFF90]  }
0xde: {  	s28 =	simm.s32 $0x400;
	v1 =	vld [tilespmem:s26+$0x0]  }
.LBB2_7:
0xdf: {  	p0 =	sne.s32 s28, $0x3C00;
	v2 =	vld [tilespmem:s26+$0xFFFFFFA0]  }
0xe0: {  	v3 =	vld [tilespmem:s26+$0xFFFFFFB0]  }
0xe1: {  	v4 =	vld [tilespmem:s26+$0xFFFFFFC0]  }
0xe2: {  	v5 =	vld [tilespmem:s26+$0xFFFFFFD0]  }
0xe3: {  	v6 =	vld [tilespmem:s26+$0xFFFFFFE0]  }
0xe4: {  	v7 =	vld [tilespmem:s26+$0xFFFFFFF0]  }
0xe5: {  	v0 =	vld.idx.msk [tilespmem:v0+s5+$0x0], $0xffff  }
0xe6: {  	v1 =	vld.idx.msk [tilespmem:v1+s5+$0x0], $0xffff  }
0xe7: {  	v2 =	vld.idx.msk [tilespmem:v2+s5+$0x0], $0xffff  }
0xe8: {  	v3 =	vld.idx.msk [tilespmem:v3+s5+$0x0], $0xffff  }
0xe9: {  	v4 =	vld.idx.msk [tilespmem:v4+s5+$0x0], $0xffff  }
0xea: {  	v5 =	vld.idx.msk [tilespmem:v5+s5+$0x0], $0xffff  }
0xeb: {  	s29 =	sshra.s32 s25, $0x2;
	s25 =	smov.u32 s28;
	v6 =	vld.idx.msk [tilespmem:v6+s5+$0x0], $0xffff  }
0xec: {  	v7 =	vld.idx.msk [tilespmem:v7+s5+$0x0], $0xffff;
	[tilespmem:s29+$0x1C770] =	vst v1  }
0xed: {  	[tilespmem:s29+$0x1C700] =	vst v0  }
0xee: {  	[tilespmem:s29+$0x1C710] =	vst v2  }
0xef: {  	[tilespmem:s29+$0x1C720] =	vst v3  }
0xf0: {  	[tilespmem:s29+$0x1C730] =	vst v4  }
.Ltmp2:
0xf1: {  	[tilespmem:s29+$0x1C740] =	vst v5;
	(pc) =	sbr.rel @p0 .LBB2_7-.Ltmp2, $4  }
0xf2: {  	[tilespmem:s29+$0x1C750] =	vst v6  }
0xf3: {  	s26 =	sadd.s32 $0x80, s26;
	[tilespmem:s29+$0x1C760] =	vst v7  }
0xf4: {  	v0 =	vld [tilespmem:s26+$0xFFFFFF90]  }
0xf5: {  	s28 =	sadd.s32 $0x400, s28;
	v1 =	vld [tilespmem:s26+$0x0]  }
0xf6: {  	_ = 	snop  }
0xf7: {  	v2 =	vld [tilespmem:s26+$0xFFFFFFA0]  }
0xf8: {  	v3 =	vld [tilespmem:s26+$0xFFFFFFB0]  }
0xf9: {  	v4 =	vld [tilespmem:s26+$0xFFFFFFC0]  }
0xfa: {  	v5 =	vld [tilespmem:s26+$0xFFFFFFD0]  }
0xfb: {  	v6 =	vld [tilespmem:s26+$0xFFFFFFE0]  }
0xfc: {  	v7 =	vld [tilespmem:s26+$0xFFFFFFF0]  }
0xfd: {  	v0 =	vld.idx.msk [tilespmem:v0+s5+$0x0], $0xffff  }
0xfe: {  	v1 =	vld.idx.msk [tilespmem:v1+s5+$0x0], $0xffff  }
0xff: {  	v2 =	vld.idx.msk [tilespmem:v2+s5+$0x0], $0xffff  }
0x100: {  	v3 =	vld.idx.msk [tilespmem:v3+s5+$0x0], $0xffff  }
0x101: {  	v4 =	vld.idx.msk [tilespmem:v4+s5+$0x0], $0xffff  }
0x102: {  	v5 =	vld.idx.msk [tilespmem:v5+s5+$0x0], $0xffff  }
0x103: {  	s25 =	sshra.s32 s25, $0x2;
	v6 =	vld.idx.msk [tilespmem:v6+s5+$0x0], $0xffff  }
0x104: {  	v7 =	vld.idx.msk [tilespmem:v7+s5+$0x0], $0xffff;
	[tilespmem:s25+$0x1C700] =	vst v0  }
0x105: {  	[tilespmem:s25+$0x1C770] =	vst v1  }
0x106: {  	[tilespmem:s25+$0x1C710] =	vst v2  }
0x107: {  	[tilespmem:s25+$0x1C720] =	vst v3  }
0x108: {  	[tilespmem:s25+$0x1C730] =	vst v4  }
0x109: {  	[tilespmem:s25+$0x1C740] =	vst v5  }
0x10a: {  	s26 =	rddreg [dreg:$0x6];
	[tilespmem:s25+$0x1C750] =	vst v6  }
0x10b: {  	s28 =	simm.s32 $0x1C700;
	[tilespmem:s25+$0x1C760] =	vst v7;
	s25 =	sadd.s32 s24, s26;
	s26 =	simm.s32 $0x0  }
0x10c: {  	[hbm4b:s25+s26] =	stream.linear.scatter [tilespmem:s28], [sflag:$0x1], $0x80, $0x38;
	[tilespmem:$0x1D700] =	vst v63  }
0x10d: {  	s29 =	simm.s32 $0x1C800;
	s28 =	sadd.s32 $0x80, s25  }
0x10e: {  	[hbm4b:s28+s26] =	stream.linear.scatter [tilespmem:s29], [sflag:$0x1], $0x80, $0x38;
	[tilespmem:$0x1D700] =	vst v63  }
0x10f: {  	s28 =	sadd.s32 $0x100, s25;
	s29 =	simm.s32 $0x1C900  }
0x110: {  	[hbm4b:s28+s26] =	stream.linear.scatter [tilespmem:s29], [sflag:$0x1], $0x80, $0x38;
	[tilespmem:$0x1D700] =	vst v63  }
0x111: {  	s28 =	sadd.s32 $0x180, s25;
	s29 =	simm.s32 $0x1CA00  }
0x112: {  	[hbm4b:s28+s26] =	stream.linear.scatter [tilespmem:s29], [sflag:$0x1], $0x80, $0x38;
	[tilespmem:$0x1D700] =	vst v63  }
0x113: {  	s28 =	sadd.s32 $0x200, s25;
	s29 =	simm.s32 $0x1CB00  }
0x114: {  	[hbm4b:s28+s26] =	stream.linear.scatter [tilespmem:s29], [sflag:$0x1], $0x80, $0x38;
	[tilespmem:$0x1D700] =	vst v63  }
0x115: {  	s28 =	sadd.s32 $0x280, s25;
	s29 =	simm.s32 $0x1CC00  }
0x116: {  	[hbm4b:s28+s26] =	stream.linear.scatter [tilespmem:s29], [sflag:$0x1], $0x80, $0x38;
	[tilespmem:$0x1D700] =	vst v63  }
0x117: {  	s28 =	sadd.s32 $0x300, s25;
	s29 =	simm.s32 $0x1CD00  }
0x118: {  	[hbm4b:s28+s26] =	stream.linear.scatter [tilespmem:s29], [sflag:$0x1], $0x80, $0x38;
	[tilespmem:$0x1D700] =	vst v63  }
0x119: {  	s28 =	sadd.s32 $0x380, s25;
	s29 =	simm.s32 $0x1CE00  }
0x11a: {  	[hbm4b:s28+s26] =	stream.linear.scatter [tilespmem:s29], [sflag:$0x1], $0x80, $0x38;
	[tilespmem:$0x1D700] =	vst v63  }
0x11b: {  	s28 =	sadd.s32 $0x400, s25;
	s29 =	simm.s32 $0x1CF00  }
0x11c: {  	[hbm4b:s28+s26] =	stream.linear.scatter [tilespmem:s29], [sflag:$0x1], $0x80, $0x38;
	[tilespmem:$0x1D700] =	vst v63  }
0x11d: {  	s28 =	sadd.s32 $0x480, s25;
	s29 =	simm.s32 $0x1D000  }
0x11e: {  	[hbm4b:s28+s26] =	stream.linear.scatter [tilespmem:s29], [sflag:$0x1], $0x80, $0x38;
	[tilespmem:$0x1D700] =	vst v63  }
0x11f: {  	s28 =	sadd.s32 $0x500, s25;
	s29 =	simm.s32 $0x1D100  }
0x120: {  	[hbm4b:s28+s26] =	stream.linear.scatter [tilespmem:s29], [sflag:$0x1], $0x80, $0x38;
	[tilespmem:$0x1D700] =	vst v63  }
0x121: {  	s28 =	sadd.s32 $0x580, s25;
	s29 =	simm.s32 $0x1D200  }
0x122: {  	[hbm4b:s28+s26] =	stream.linear.scatter [tilespmem:s29], [sflag:$0x1], $0x80, $0x38;
	[tilespmem:$0x1D700] =	vst v63  }
0x123: {  	s28 =	sadd.s32 $0x600, s25;
	s29 =	simm.s32 $0x1D300  }
0x124: {  	[hbm4b:s28+s26] =	stream.linear.scatter [tilespmem:s29], [sflag:$0x1], $0x80, $0x38;
	[tilespmem:$0x1D700] =	vst v63  }
0x125: {  	s28 =	sadd.s32 $0x680, s25  }
0x126: {  	[hbm4b:s28+s26] =	stream.linear.scatter [tilespmem:s31], [sflag:$0x1], $0x80, $0x38;
	[tilespmem:$0x1D700] =	vst v63  }
0x127: {  	s28 =	sadd.s32 $0x700, s25  }
0x128: {  	[hbm4b:s28+s26] =	stream.linear.scatter [tilespmem:s0], [sflag:$0x1], $0x80, $0x38;
	[tilespmem:$0x1D700] =	vst v63  }
0x129: {  	s25 =	sadd.s32 $0x780, s25  }
0x12a: {  	[hbm4b:s25+s26] =	stream.linear.scatter [tilespmem:s4], [sflag:$0x1], $0x80, $0x38;
	[tilespmem:$0x1D700] =	vst v63  }
0x12b: {  	_ =	swait.ge [sflag:s19], $0x800  }
0x12c: {  	[sflag:s19] =	ssyncset.done $0x0  }
0x12d: {  	s29 =	simm.s32 $0x0;
	[sflag:s19] =	ssyncadd.s32 $0xFFFFF800  }
0x12e: {  	v0 =	vld [tilespmem:s29+$0x19F00]  }
0x12f: {  	v1 =	vld [tilespmem:s29+$0x19F70]  }
0x130: {  	v2 =	vld [tilespmem:s29+$0x19F10]  }
0x131: {  	v3 =	vld [tilespmem:s29+$0x19F20]  }
0x132: {  	v60 =	vld [tilespmem:s29+$0x19F30]  }
0x133: {  	v61 =	vld [tilespmem:s29+$0x19F40]  }
0x134: {  	v62 =	vld [tilespmem:s29+$0x19F50]  }
0x135: {  	v63 =	vld [tilespmem:s29+$0x19F60]  }
0x136: {  	v0 =	vld.idx.msk [tilespmem:v0+s5+$0x0], $0xffff  }
0x137: {  	v1 =	vld.idx.msk [tilespmem:v1+s5+$0x0], $0xffff  }
0x138: {  	v2 =	vld.idx.msk [tilespmem:v2+s5+$0x0], $0xffff  }
0x139: {  	v3 =	vld.idx.msk [tilespmem:v3+s5+$0x0], $0xffff  }
0x13a: {  	v4 =	vld.idx.msk [tilespmem:v60+s5+$0x0], $0xffff  }
0x13b: {  	v5 =	vld.idx.msk [tilespmem:v61+s5+$0x0], $0xffff  }
0x13c: {  	s25 =	simm.s32 $0x1C7F0;
	v6 =	vld.idx.msk [tilespmem:v62+s5+$0x0], $0xffff  }
0x13d: {  	v7 =	vld.idx.msk [tilespmem:v63+s5+$0x0], $0xffff;
	[tilespmem:s25+$0x0] =	vst v1  }
0x13e: {  	[tilespmem:s25+$0xFFFFFF90] =	vst v0  }
0x13f: {  	[tilespmem:s25+$0xFFFFFFA0] =	vst v2  }
0x140: {  	[tilespmem:s25+$0xFFFFFFB0] =	vst v3  }
0x141: {  	[tilespmem:s25+$0xFFFFFFC0] =	vst v4  }
0x142: {  	[tilespmem:s25+$0xFFFFFFD0] =	vst v5  }
0x143: {  	[tilespmem:s25+$0xFFFFFFE0] =	vst v6  }
0x144: {  	s28 =	simm.s32 $0x80;
	[tilespmem:s25+$0xFFFFFFF0] =	vst v7  }
0x145: {  	s26 =	simm.s32 $0x400;
	v0 =	vld [tilespmem:s28+$0x19F00]  }
.LBB2_9:
0x146: {  	p0 =	sne.s32 s26, $0x1E00;
	v1 =	vld [tilespmem:s28+$0x19F70]  }
0x147: {  	v2 =	vld [tilespmem:s28+$0x19F10]  }
0x148: {  	v3 =	vld [tilespmem:s28+$0x19F20]  }
0x149: {  	v4 =	vld [tilespmem:s28+$0x19F30]  }
0x14a: {  	v5 =	vld [tilespmem:s28+$0x19F40]  }
0x14b: {  	v6 =	vld [tilespmem:s28+$0x19F50]  }
0x14c: {  	v7 =	vld [tilespmem:s28+$0x19F60]  }
0x14d: {  	v0 =	vld.idx.msk [tilespmem:v0+s5+$0x0], $0xffff  }
0x14e: {  	v1 =	vld.idx.msk [tilespmem:v1+s5+$0x0], $0xffff  }
0x14f: {  	v2 =	vld.idx.msk [tilespmem:v2+s5+$0x0], $0xffff  }
0x150: {  	v3 =	vld.idx.msk [tilespmem:v3+s5+$0x0], $0xffff  }
0x151: {  	v4 =	vld.idx.msk [tilespmem:v4+s5+$0x0], $0xffff  }
0x152: {  	v5 =	vld.idx.msk [tilespmem:v5+s5+$0x0], $0xffff  }
0x153: {  	s25 =	sadd.s32 $0x100, s25;
	v6 =	vld.idx.msk [tilespmem:v6+s5+$0x0], $0xffff  }
0x154: {  	v7 =	vld.idx.msk [tilespmem:v7+s5+$0x0], $0xffff;
	[tilespmem:s25+$0x0] =	vst v1  }
0x155: {  	[tilespmem:s25+$0xFFFFFF90] =	vst v0  }
0x156: {  	[tilespmem:s25+$0xFFFFFFA0] =	vst v2  }
0x157: {  	[tilespmem:s25+$0xFFFFFFB0] =	vst v3  }
.Ltmp3:
0x158: {  	[tilespmem:s25+$0xFFFFFFC0] =	vst v4;
	(pc) =	sbr.rel @p0 .LBB2_9-.Ltmp3, $4  }
0x159: {  	[tilespmem:s25+$0xFFFFFFD0] =	vst v5  }
0x15a: {  	[tilespmem:s25+$0xFFFFFFE0] =	vst v6  }
0x15b: {  	s28 =	sshra.s32 s26, $0x2;
	[tilespmem:s25+$0xFFFFFFF0] =	vst v7  }
0x15c: {  	s26 =	sadd.s32 $0x200, s26;
	v0 =	vld [tilespmem:s28+$0x19F00]  }
0x15d: {  	_ = 	snop  }
0x15e: {  	v1 =	vld [tilespmem:s28+$0x19F70]  }
0x15f: {  	v2 =	vld [tilespmem:s28+$0x19F10]  }
0x160: {  	v3 =	vld [tilespmem:s28+$0x19F20]  }
0x161: {  	v4 =	vld [tilespmem:s28+$0x19F30]  }
0x162: {  	v5 =	vld [tilespmem:s28+$0x19F40]  }
0x163: {  	v6 =	vld [tilespmem:s28+$0x19F50]  }
0x164: {  	v7 =	vld [tilespmem:s28+$0x19F60]  }
0x165: {  	v0 =	vld.idx.msk [tilespmem:v0+s5+$0x0], $0xffff  }
0x166: {  	v1 =	vld.idx.msk [tilespmem:v1+s5+$0x0], $0xffff  }
0x167: {  	v2 =	vld.idx.msk [tilespmem:v2+s5+$0x0], $0xffff  }
0x168: {  	v3 =	vld.idx.msk [tilespmem:v3+s5+$0x0], $0xffff  }
0x169: {  	v4 =	vld.idx.msk [tilespmem:v4+s5+$0x0], $0xffff  }
0x16a: {  	v5 =	vld.idx.msk [tilespmem:v5+s5+$0x0], $0xffff  }
0x16b: {  	s25 =	sadd.s32 $0x100, s25;
	v6 =	vld.idx.msk [tilespmem:v6+s5+$0x0], $0xffff  }
0x16c: {  	v7 =	vld.idx.msk [tilespmem:v7+s5+$0x0], $0xffff;
	[tilespmem:s25+$0xFFFFFF90] =	vst v0  }
0x16d: {  	[tilespmem:s25+$0x0] =	vst v1  }
0x16e: {  	[tilespmem:s25+$0xFFFFFFA0] =	vst v2  }
0x16f: {  	[tilespmem:s25+$0xFFFFFFB0] =	vst v3  }
0x170: {  	[tilespmem:s25+$0xFFFFFFC0] =	vst v4  }
0x171: {  	[tilespmem:s25+$0xFFFFFFD0] =	vst v5  }
0x172: {  	s29 =	rddreg [dreg:$0x7];
	[tilespmem:s25+$0xFFFFFFE0] =	vst v6  }
0x173: {  	s26 =	sadd.s32 s24, s29;
	[tilespmem:s25+$0xFFFFFFF0] =	vst v7;
	s25 =	simm.s32 $0x0  }
0x174: {  	[hbm4b:s26+s25] =	stream.linear.scatter [tilespmem:s13], [sflag:$0x1], $0x80, $0x38;
	[tilespmem:$0x1D700] =	vst v63  }
0x175: {  	s28 =	sadd.s32 $0x80, s26  }
0x176: {  	[hbm4b:s28+s25] =	stream.linear.scatter [tilespmem:s1], [sflag:$0x1], $0x80, $0x38;
	[tilespmem:$0x1D700] =	vst v63  }
0x177: {  	s28 =	sadd.s32 $0x100, s26  }
0x178: {  	[hbm4b:s28+s25] =	stream.linear.scatter [tilespmem:s2], [sflag:$0x1], $0x80, $0x38;
	[tilespmem:$0x1D700] =	vst v63  }
0x179: {  	s28 =	sadd.s32 $0x180, s26  }
0x17a: {  	[hbm4b:s28+s25] =	stream.linear.scatter [tilespmem:s14], [sflag:$0x1], $0x80, $0x38;
	[tilespmem:$0x1D700] =	vst v63  }
0x17b: {  	s28 =	sadd.s32 $0x200, s26  }
0x17c: {  	[hbm4b:s28+s25] =	stream.linear.scatter [tilespmem:s15], [sflag:$0x1], $0x80, $0x38;
	[tilespmem:$0x1D700] =	vst v63  }
0x17d: {  	s28 =	sadd.s32 $0x280, s26  }
0x17e: {  	[hbm4b:s28+s25] =	stream.linear.scatter [tilespmem:s3], [sflag:$0x1], $0x80, $0x38;
	[tilespmem:$0x1D700] =	vst v63  }
0x17f: {  	s28 =	sadd.s32 $0x300, s26  }
0x180: {  	[hbm4b:s28+s25] =	stream.linear.scatter [tilespmem:s6], [sflag:$0x1], $0x80, $0x38;
	[tilespmem:$0x1D700] =	vst v63  }
0x181: {  	s28 =	sadd.s32 $0x380, s26  }
0x182: {  	[hbm4b:s28+s25] =	stream.linear.scatter [tilespmem:s7], [sflag:$0x1], $0x80, $0x38;
	[tilespmem:$0x1D700] =	vst v63  }
0x183: {  	s28 =	sadd.s32 $0x400, s26  }
0x184: {  	[hbm4b:s28+s25] =	stream.linear.scatter [tilespmem:s8], [sflag:$0x1], $0x80, $0x38;
	[tilespmem:$0x1D700] =	vst v63  }
0x185: {  	s28 =	sadd.s32 $0x480, s26  }
0x186: {  	[hbm4b:s28+s25] =	stream.linear.scatter [tilespmem:s9], [sflag:$0x1], $0x80, $0x38;
	[tilespmem:$0x1D700] =	vst v63  }
0x187: {  	s28 =	sadd.s32 $0x500, s26  }
0x188: {  	[hbm4b:s28+s25] =	stream.linear.scatter [tilespmem:s10], [sflag:$0x1], $0x80, $0x38;
	[tilespmem:$0x1D700] =	vst v63  }
0x189: {  	s28 =	sadd.s32 $0x580, s26  }
0x18a: {  	[hbm4b:s28+s25] =	stream.linear.scatter [tilespmem:s11], [sflag:$0x1], $0x80, $0x38;
	[tilespmem:$0x1D700] =	vst v63  }
0x18b: {  	s28 =	sadd.s32 $0x600, s26  }
0x18c: {  	[hbm4b:s28+s25] =	stream.linear.scatter [tilespmem:s12], [sflag:$0x1], $0x80, $0x38;
	[tilespmem:$0x1D700] =	vst v63  }
0x18d: {  	s28 =	sadd.s32 $0x680, s26  }
0x18e: {  	[hbm4b:s28+s25] =	stream.linear.scatter [tilespmem:s16], [sflag:$0x1], $0x80, $0x38;
	[tilespmem:$0x1D700] =	vst v63  }
0x18f: {  	s28 =	sadd.s32 $0x700, s26  }
0x190: {  	[hbm4b:s28+s25] =	stream.linear.scatter [tilespmem:s17], [sflag:$0x1], $0x80, $0x38;
	[tilespmem:$0x1D700] =	vst v63  }
0x191: {  	s26 =	sadd.s32 $0x780, s26  }
0x192: {  	[hbm4b:s26+s25] =	stream.linear.scatter [tilespmem:s18], [sflag:$0x1], $0x80, $0x38;
	[tilespmem:$0x1D700] =	vst v63  }
0x193: {  	_ =	swait.ge [sflag:s19], $0x800  }
0x194: {  	[sflag:s19] =	ssyncset.done $0x0  }
0x195: {  	s26 =	simm.s32 $0x1A770;
	[sflag:s19] =	ssyncadd.s32 $0xFFFFF800  }
0x196: {  	v0 =	vld [tilespmem:s26+$0xFFFFFF90]  }
0x197: {  	s28 =	simm.s32 $0x400;
	v1 =	vld [tilespmem:s26+$0x0]  }
.LBB2_11:
0x198: {  	p0 =	sne.s32 s28, $0x3C00;
	v2 =	vld [tilespmem:s26+$0xFFFFFFA0]  }
0x199: {  	v3 =	vld [tilespmem:s26+$0xFFFFFFB0]  }
0x19a: {  	v4 =	vld [tilespmem:s26+$0xFFFFFFC0]  }
0x19b: {  	v5 =	vld [tilespmem:s26+$0xFFFFFFD0]  }
0x19c: {  	v6 =	vld [tilespmem:s26+$0xFFFFFFE0]  }
0x19d: {  	v7 =	vld [tilespmem:s26+$0xFFFFFFF0]  }
0x19e: {  	v0 =	vld.idx.msk [tilespmem:v0+s5+$0x0], $0xffff  }
0x19f: {  	v1 =	vld.idx.msk [tilespmem:v1+s5+$0x0], $0xffff  }
0x1a0: {  	v2 =	vld.idx.msk [tilespmem:v2+s5+$0x0], $0xffff  }
0x1a1: {  	v3 =	vld.idx.msk [tilespmem:v3+s5+$0x0], $0xffff  }
0x1a2: {  	v4 =	vld.idx.msk [tilespmem:v4+s5+$0x0], $0xffff  }
0x1a3: {  	v5 =	vld.idx.msk [tilespmem:v5+s5+$0x0], $0xffff  }
0x1a4: {  	s29 =	sshra.s32 s25, $0x2;
	s25 =	smov.u32 s28;
	v6 =	vld.idx.msk [tilespmem:v6+s5+$0x0], $0xffff  }
0x1a5: {  	v7 =	vld.idx.msk [tilespmem:v7+s5+$0x0], $0xffff;
	[tilespmem:s29+$0x1C770] =	vst v1  }
0x1a6: {  	[tilespmem:s29+$0x1C700] =	vst v0  }
0x1a7: {  	[tilespmem:s29+$0x1C710] =	vst v2  }
0x1a8: {  	[tilespmem:s29+$0x1C720] =	vst v3  }
0x1a9: {  	[tilespmem:s29+$0x1C730] =	vst v4  }
.Ltmp4:
0x1aa: {  	[tilespmem:s29+$0x1C740] =	vst v5;
	(pc) =	sbr.rel @p0 .LBB2_11-.Ltmp4, $4  }
0x1ab: {  	[tilespmem:s29+$0x1C750] =	vst v6  }
0x1ac: {  	s26 =	sadd.s32 $0x80, s26;
	[tilespmem:s29+$0x1C760] =	vst v7  }
0x1ad: {  	v0 =	vld [tilespmem:s26+$0xFFFFFF90]  }
0x1ae: {  	s28 =	sadd.s32 $0x400, s28;
	v1 =	vld [tilespmem:s26+$0x0]  }
0x1af: {  	_ = 	snop  }
0x1b0: {  	v2 =	vld [tilespmem:s26+$0xFFFFFFA0]  }
0x1b1: {  	v3 =	vld [tilespmem:s26+$0xFFFFFFB0]  }
0x1b2: {  	v4 =	vld [tilespmem:s26+$0xFFFFFFC0]  }
0x1b3: {  	v5 =	vld [tilespmem:s26+$0xFFFFFFD0]  }
0x1b4: {  	v6 =	vld [tilespmem:s26+$0xFFFFFFE0]  }
0x1b5: {  	v7 =	vld [tilespmem:s26+$0xFFFFFFF0]  }
0x1b6: {  	v0 =	vld.idx.msk [tilespmem:v0+s5+$0x0], $0xffff  }
0x1b7: {  	v1 =	vld.idx.msk [tilespmem:v1+s5+$0x0], $0xffff  }
0x1b8: {  	v2 =	vld.idx.msk [tilespmem:v2+s5+$0x0], $0xffff  }
0x1b9: {  	v3 =	vld.idx.msk [tilespmem:v3+s5+$0x0], $0xffff  }
0x1ba: {  	v4 =	vld.idx.msk [tilespmem:v4+s5+$0x0], $0xffff  }
0x1bb: {  	v5 =	vld.idx.msk [tilespmem:v5+s5+$0x0], $0xffff  }
0x1bc: {  	s25 =	sshra.s32 s25, $0x2;
	v6 =	vld.idx.msk [tilespmem:v6+s5+$0x0], $0xffff  }
0x1bd: {  	v7 =	vld.idx.msk [tilespmem:v7+s5+$0x0], $0xffff;
	[tilespmem:s25+$0x1C700] =	vst v0  }
0x1be: {  	[tilespmem:s25+$0x1C770] =	vst v1  }
0x1bf: {  	[tilespmem:s25+$0x1C710] =	vst v2  }
0x1c0: {  	[tilespmem:s25+$0x1C720] =	vst v3  }
0x1c1: {  	[tilespmem:s25+$0x1C730] =	vst v4  }
0x1c2: {  	[tilespmem:s25+$0x1C740] =	vst v5  }
0x1c3: {  	s26 =	rddreg [dreg:$0x8];
	[tilespmem:s25+$0x1C750] =	vst v6  }
0x1c4: {  	s28 =	simm.s32 $0x1C700;
	[tilespmem:s25+$0x1C760] =	vst v7;
	s25 =	sadd.s32 s24, s26;
	s26 =	simm.s32 $0x0  }
0x1c5: {  	[hbm4b:s25+s26] =	stream.linear.scatter [tilespmem:s28], [sflag:$0x1], $0x80, $0x38;
	[tilespmem:$0x1D700] =	vst v63  }
0x1c6: {  	s29 =	simm.s32 $0x1C800;
	s28 =	sadd.s32 $0x80, s25  }
0x1c7: {  	[hbm4b:s28+s26] =	stream.linear.scatter [tilespmem:s29], [sflag:$0x1], $0x80, $0x38;
	[tilespmem:$0x1D700] =	vst v63  }
0x1c8: {  	s28 =	sadd.s32 $0x100, s25;
	s29 =	simm.s32 $0x1C900  }
0x1c9: {  	[hbm4b:s28+s26] =	stream.linear.scatter [tilespmem:s29], [sflag:$0x1], $0x80, $0x38;
	[tilespmem:$0x1D700] =	vst v63  }
0x1ca: {  	s28 =	sadd.s32 $0x180, s25;
	s29 =	simm.s32 $0x1CA00  }
0x1cb: {  	[hbm4b:s28+s26] =	stream.linear.scatter [tilespmem:s29], [sflag:$0x1], $0x80, $0x38;
	[tilespmem:$0x1D700] =	vst v63  }
0x1cc: {  	s28 =	sadd.s32 $0x200, s25;
	s29 =	simm.s32 $0x1CB00  }
0x1cd: {  	[hbm4b:s28+s26] =	stream.linear.scatter [tilespmem:s29], [sflag:$0x1], $0x80, $0x38;
	[tilespmem:$0x1D700] =	vst v63  }
0x1ce: {  	s28 =	sadd.s32 $0x280, s25;
	s29 =	simm.s32 $0x1CC00  }
0x1cf: {  	[hbm4b:s28+s26] =	stream.linear.scatter [tilespmem:s29], [sflag:$0x1], $0x80, $0x38;
	[tilespmem:$0x1D700] =	vst v63  }
0x1d0: {  	s28 =	sadd.s32 $0x300, s25;
	s29 =	simm.s32 $0x1CD00  }
0x1d1: {  	[hbm4b:s28+s26] =	stream.linear.scatter [tilespmem:s29], [sflag:$0x1], $0x80, $0x38;
	[tilespmem:$0x1D700] =	vst v63  }
0x1d2: {  	s28 =	sadd.s32 $0x380, s25;
	s29 =	simm.s32 $0x1CE00  }
0x1d3: {  	[hbm4b:s28+s26] =	stream.linear.scatter [tilespmem:s29], [sflag:$0x1], $0x80, $0x38;
	[tilespmem:$0x1D700] =	vst v63  }
0x1d4: {  	s28 =	sadd.s32 $0x400, s25;
	s29 =	simm.s32 $0x1CF00  }
0x1d5: {  	[hbm4b:s28+s26] =	stream.linear.scatter [tilespmem:s29], [sflag:$0x1], $0x80, $0x38;
	[tilespmem:$0x1D700] =	vst v63  }
0x1d6: {  	s28 =	sadd.s32 $0x480, s25;
	s29 =	simm.s32 $0x1D000  }
0x1d7: {  	[hbm4b:s28+s26] =	stream.linear.scatter [tilespmem:s29], [sflag:$0x1], $0x80, $0x38;
	[tilespmem:$0x1D700] =	vst v63  }
0x1d8: {  	s28 =	sadd.s32 $0x500, s25;
	s29 =	simm.s32 $0x1D100  }
0x1d9: {  	[hbm4b:s28+s26] =	stream.linear.scatter [tilespmem:s29], [sflag:$0x1], $0x80, $0x38;
	[tilespmem:$0x1D700] =	vst v63  }
0x1da: {  	s28 =	sadd.s32 $0x580, s25;
	s29 =	simm.s32 $0x1D200  }
0x1db: {  	[hbm4b:s28+s26] =	stream.linear.scatter [tilespmem:s29], [sflag:$0x1], $0x80, $0x38;
	[tilespmem:$0x1D700] =	vst v63  }
0x1dc: {  	s28 =	sadd.s32 $0x600, s25;
	s29 =	simm.s32 $0x1D300  }
0x1dd: {  	[hbm4b:s28+s26] =	stream.linear.scatter [tilespmem:s29], [sflag:$0x1], $0x80, $0x38;
	[tilespmem:$0x1D700] =	vst v63  }
0x1de: {  	s28 =	sadd.s32 $0x680, s25  }
0x1df: {  	[hbm4b:s28+s26] =	stream.linear.scatter [tilespmem:s31], [sflag:$0x1], $0x80, $0x38;
	[tilespmem:$0x1D700] =	vst v63  }
0x1e0: {  	s28 =	sadd.s32 $0x700, s25  }
0x1e1: {  	[hbm4b:s28+s26] =	stream.linear.scatter [tilespmem:s0], [sflag:$0x1], $0x80, $0x38;
	[tilespmem:$0x1D700] =	vst v63  }
0x1e2: {  	s25 =	sadd.s32 $0x780, s25  }
0x1e3: {  	[hbm4b:s25+s26] =	stream.linear.scatter [tilespmem:s4], [sflag:$0x1], $0x80, $0x38;
	[tilespmem:$0x1D700] =	vst v63  }
0x1e4: {  	_ =	swait.ge [sflag:s19], $0x800  }
0x1e5: {  	[sflag:s19] =	ssyncset.done $0x0  }
0x1e6: {  	s29 =	simm.s32 $0x0;
	[sflag:s19] =	ssyncadd.s32 $0xFFFFF800  }
0x1e7: {  	v0 =	vld [tilespmem:s29+$0x1AF00]  }
0x1e8: {  	v1 =	vld [tilespmem:s29+$0x1AF70]  }
0x1e9: {  	v2 =	vld [tilespmem:s29+$0x1AF10]  }
0x1ea: {  	v3 =	vld [tilespmem:s29+$0x1AF20]  }
0x1eb: {  	v60 =	vld [tilespmem:s29+$0x1AF30]  }
0x1ec: {  	v61 =	vld [tilespmem:s29+$0x1AF40]  }
0x1ed: {  	v62 =	vld [tilespmem:s29+$0x1AF50]  }
0x1ee: {  	v63 =	vld [tilespmem:s29+$0x1AF60]  }
0x1ef: {  	v0 =	vld.idx.msk [tilespmem:v0+s5+$0x0], $0xffff  }
0x1f0: {  	v1 =	vld.idx.msk [tilespmem:v1+s5+$0x0], $0xffff  }
0x1f1: {  	v2 =	vld.idx.msk [tilespmem:v2+s5+$0x0], $0xffff  }
0x1f2: {  	v3 =	vld.idx.msk [tilespmem:v3+s5+$0x0], $0xffff  }
0x1f3: {  	v4 =	vld.idx.msk [tilespmem:v60+s5+$0x0], $0xffff  }
0x1f4: {  	v5 =	vld.idx.msk [tilespmem:v61+s5+$0x0], $0xffff  }
0x1f5: {  	s25 =	simm.s32 $0x1C7F0;
	v6 =	vld.idx.msk [tilespmem:v62+s5+$0x0], $0xffff  }
0x1f6: {  	v7 =	vld.idx.msk [tilespmem:v63+s5+$0x0], $0xffff;
	[tilespmem:s25+$0x0] =	vst v1  }
0x1f7: {  	[tilespmem:s25+$0xFFFFFF90] =	vst v0  }
0x1f8: {  	[tilespmem:s25+$0xFFFFFFA0] =	vst v2  }
0x1f9: {  	[tilespmem:s25+$0xFFFFFFB0] =	vst v3  }
0x1fa: {  	[tilespmem:s25+$0xFFFFFFC0] =	vst v4  }
0x1fb: {  	[tilespmem:s25+$0xFFFFFFD0] =	vst v5  }
0x1fc: {  	[tilespmem:s25+$0xFFFFFFE0] =	vst v6  }
0x1fd: {  	s28 =	simm.s32 $0x80;
	[tilespmem:s25+$0xFFFFFFF0] =	vst v7  }
0x1fe: {  	s26 =	simm.s32 $0x400;
	v0 =	vld [tilespmem:s28+$0x1AF00]  }
.LBB2_13:
0x1ff: {  	p0 =	sne.s32 s26, $0x1E00;
	v1 =	vld [tilespmem:s28+$0x1AF70]  }
0x200: {  	v2 =	vld [tilespmem:s28+$0x1AF10]  }
0x201: {  	v3 =	vld [tilespmem:s28+$0x1AF20]  }
0x202: {  	v4 =	vld [tilespmem:s28+$0x1AF30]  }
0x203: {  	v5 =	vld [tilespmem:s28+$0x1AF40]  }
0x204: {  	v6 =	vld [tilespmem:s28+$0x1AF50]  }
0x205: {  	v7 =	vld [tilespmem:s28+$0x1AF60]  }
0x206: {  	v0 =	vld.idx.msk [tilespmem:v0+s5+$0x0], $0xffff  }
0x207: {  	v1 =	vld.idx.msk [tilespmem:v1+s5+$0x0], $0xffff  }
0x208: {  	v2 =	vld.idx.msk [tilespmem:v2+s5+$0x0], $0xffff  }
0x209: {  	v3 =	vld.idx.msk [tilespmem:v3+s5+$0x0], $0xffff  }
0x20a: {  	v4 =	vld.idx.msk [tilespmem:v4+s5+$0x0], $0xffff  }
0x20b: {  	v5 =	vld.idx.msk [tilespmem:v5+s5+$0x0], $0xffff  }
0x20c: {  	s25 =	sadd.s32 $0x100, s25;
	v6 =	vld.idx.msk [tilespmem:v6+s5+$0x0], $0xffff  }
0x20d: {  	v7 =	vld.idx.msk [tilespmem:v7+s5+$0x0], $0xffff;
	[tilespmem:s25+$0x0] =	vst v1  }
0x20e: {  	[tilespmem:s25+$0xFFFFFF90] =	vst v0  }
0x20f: {  	[tilespmem:s25+$0xFFFFFFA0] =	vst v2  }
0x210: {  	[tilespmem:s25+$0xFFFFFFB0] =	vst v3  }
.Ltmp5:
0x211: {  	[tilespmem:s25+$0xFFFFFFC0] =	vst v4;
	(pc) =	sbr.rel @p0 .LBB2_13-.Ltmp5, $4  }
0x212: {  	[tilespmem:s25+$0xFFFFFFD0] =	vst v5  }
0x213: {  	[tilespmem:s25+$0xFFFFFFE0] =	vst v6  }
0x214: {  	s28 =	sshra.s32 s26, $0x2;
	[tilespmem:s25+$0xFFFFFFF0] =	vst v7  }
0x215: {  	s26 =	sadd.s32 $0x200, s26;
	v0 =	vld [tilespmem:s28+$0x1AF00]  }
0x216: {  	_ = 	snop  }
0x217: {  	v1 =	vld [tilespmem:s28+$0x1AF70]  }
0x218: {  	v2 =	vld [tilespmem:s28+$0x1AF10]  }
0x219: {  	v3 =	vld [tilespmem:s28+$0x1AF20]  }
0x21a: {  	v4 =	vld [tilespmem:s28+$0x1AF30]  }
0x21b: {  	v5 =	vld [tilespmem:s28+$0x1AF40]  }
0x21c: {  	v6 =	vld [tilespmem:s28+$0x1AF50]  }
0x21d: {  	v7 =	vld [tilespmem:s28+$0x1AF60]  }
0x21e: {  	v0 =	vld.idx.msk [tilespmem:v0+s5+$0x0], $0xffff  }
0x21f: {  	v1 =	vld.idx.msk [tilespmem:v1+s5+$0x0], $0xffff  }
0x220: {  	v2 =	vld.idx.msk [tilespmem:v2+s5+$0x0], $0xffff  }
0x221: {  	v3 =	vld.idx.msk [tilespmem:v3+s5+$0x0], $0xffff  }
0x222: {  	v4 =	vld.idx.msk [tilespmem:v4+s5+$0x0], $0xffff  }
0x223: {  	v5 =	vld.idx.msk [tilespmem:v5+s5+$0x0], $0xffff  }
0x224: {  	s25 =	sadd.s32 $0x100, s25;
	v6 =	vld.idx.msk [tilespmem:v6+s5+$0x0], $0xffff  }
0x225: {  	v7 =	vld.idx.msk [tilespmem:v7+s5+$0x0], $0xffff;
	[tilespmem:s25+$0xFFFFFF90] =	vst v0  }
0x226: {  	[tilespmem:s25+$0x0] =	vst v1  }
0x227: {  	[tilespmem:s25+$0xFFFFFFA0] =	vst v2  }
0x228: {  	[tilespmem:s25+$0xFFFFFFB0] =	vst v3  }
0x229: {  	[tilespmem:s25+$0xFFFFFFC0] =	vst v4  }
0x22a: {  	[tilespmem:s25+$0xFFFFFFD0] =	vst v5  }
0x22b: {  	s29 =	rddreg [dreg:$0x9];
	[tilespmem:s25+$0xFFFFFFE0] =	vst v6  }
0x22c: {  	s26 =	sadd.s32 s24, s29;
	[tilespmem:s25+$0xFFFFFFF0] =	vst v7;
	s25 =	simm.s32 $0x0  }
0x22d: {  	[hbm4b:s26+s25] =	stream.linear.scatter [tilespmem:s13], [sflag:$0x1], $0x80, $0x38;
	[tilespmem:$0x1D700] =	vst v63  }
0x22e: {  	s28 =	sadd.s32 $0x80, s26  }
0x22f: {  	[hbm4b:s28+s25] =	stream.linear.scatter [tilespmem:s1], [sflag:$0x1], $0x80, $0x38;
	[tilespmem:$0x1D700] =	vst v63  }
0x230: {  	s28 =	sadd.s32 $0x100, s26  }
0x231: {  	[hbm4b:s28+s25] =	stream.linear.scatter [tilespmem:s2], [sflag:$0x1], $0x80, $0x38;
	[tilespmem:$0x1D700] =	vst v63  }
0x232: {  	s28 =	sadd.s32 $0x180, s26  }
0x233: {  	[hbm4b:s28+s25] =	stream.linear.scatter [tilespmem:s14], [sflag:$0x1], $0x80, $0x38;
	[tilespmem:$0x1D700] =	vst v63  }
0x234: {  	s28 =	sadd.s32 $0x200, s26  }
0x235: {  	[hbm4b:s28+s25] =	stream.linear.scatter [tilespmem:s15], [sflag:$0x1], $0x80, $0x38;
	[tilespmem:$0x1D700] =	vst v63  }
0x236: {  	s28 =	sadd.s32 $0x280, s26  }
0x237: {  	[hbm4b:s28+s25] =	stream.linear.scatter [tilespmem:s3], [sflag:$0x1], $0x80, $0x38;
	[tilespmem:$0x1D700] =	vst v63  }
0x238: {  	s28 =	sadd.s32 $0x300, s26  }
0x239: {  	[hbm4b:s28+s25] =	stream.linear.scatter [tilespmem:s6], [sflag:$0x1], $0x80, $0x38;
	[tilespmem:$0x1D700] =	vst v63  }
0x23a: {  	s28 =	sadd.s32 $0x380, s26  }
0x23b: {  	[hbm4b:s28+s25] =	stream.linear.scatter [tilespmem:s7], [sflag:$0x1], $0x80, $0x38;
	[tilespmem:$0x1D700] =	vst v63  }
0x23c: {  	s28 =	sadd.s32 $0x400, s26  }
0x23d: {  	[hbm4b:s28+s25] =	stream.linear.scatter [tilespmem:s8], [sflag:$0x1], $0x80, $0x38;
	[tilespmem:$0x1D700] =	vst v63  }
0x23e: {  	s28 =	sadd.s32 $0x480, s26  }
0x23f: {  	[hbm4b:s28+s25] =	stream.linear.scatter [tilespmem:s9], [sflag:$0x1], $0x80, $0x38;
	[tilespmem:$0x1D700] =	vst v63  }
0x240: {  	s28 =	sadd.s32 $0x500, s26  }
0x241: {  	[hbm4b:s28+s25] =	stream.linear.scatter [tilespmem:s10], [sflag:$0x1], $0x80, $0x38;
	[tilespmem:$0x1D700] =	vst v63  }
0x242: {  	s28 =	sadd.s32 $0x580, s26  }
0x243: {  	[hbm4b:s28+s25] =	stream.linear.scatter [tilespmem:s11], [sflag:$0x1], $0x80, $0x38;
	[tilespmem:$0x1D700] =	vst v63  }
0x244: {  	s28 =	sadd.s32 $0x600, s26  }
0x245: {  	[hbm4b:s28+s25] =	stream.linear.scatter [tilespmem:s12], [sflag:$0x1], $0x80, $0x38;
	[tilespmem:$0x1D700] =	vst v63  }
0x246: {  	s28 =	sadd.s32 $0x680, s26  }
0x247: {  	[hbm4b:s28+s25] =	stream.linear.scatter [tilespmem:s16], [sflag:$0x1], $0x80, $0x38;
	[tilespmem:$0x1D700] =	vst v63  }
0x248: {  	s28 =	sadd.s32 $0x700, s26  }
0x249: {  	[hbm4b:s28+s25] =	stream.linear.scatter [tilespmem:s17], [sflag:$0x1], $0x80, $0x38;
	[tilespmem:$0x1D700] =	vst v63  }
0x24a: {  	s26 =	sadd.s32 $0x780, s26  }
0x24b: {  	[hbm4b:s26+s25] =	stream.linear.scatter [tilespmem:s18], [sflag:$0x1], $0x80, $0x38;
	[tilespmem:$0x1D700] =	vst v63  }
0x24c: {  	_ =	swait.ge [sflag:s19], $0x800  }
0x24d: {  	[sflag:s19] =	ssyncset.done $0x0  }
0x24e: {  	s26 =	simm.s32 $0x1B770;
	[sflag:s19] =	ssyncadd.s32 $0xFFFFF800  }
0x24f: {  	v0 =	vld [tilespmem:s26+$0xFFFFFF90]  }
0x250: {  	s28 =	simm.s32 $0x400;
	v1 =	vld [tilespmem:s26+$0x0]  }
.LBB2_15:
0x251: {  	p0 =	sne.s32 s28, $0x3C00;
	v2 =	vld [tilespmem:s26+$0xFFFFFFA0]  }
0x252: {  	v3 =	vld [tilespmem:s26+$0xFFFFFFB0]  }
0x253: {  	v4 =	vld [tilespmem:s26+$0xFFFFFFC0]  }
0x254: {  	v5 =	vld [tilespmem:s26+$0xFFFFFFD0]  }
0x255: {  	v6 =	vld [tilespmem:s26+$0xFFFFFFE0]  }
0x256: {  	v7 =	vld [tilespmem:s26+$0xFFFFFFF0]  }
0x257: {  	v0 =	vld.idx.msk [tilespmem:v0+s5+$0x0], $0xffff  }
0x258: {  	v1 =	vld.idx.msk [tilespmem:v1+s5+$0x0], $0xffff  }
0x259: {  	v2 =	vld.idx.msk [tilespmem:v2+s5+$0x0], $0xffff  }
0x25a: {  	v3 =	vld.idx.msk [tilespmem:v3+s5+$0x0], $0xffff  }
0x25b: {  	v4 =	vld.idx.msk [tilespmem:v4+s5+$0x0], $0xffff  }
0x25c: {  	v5 =	vld.idx.msk [tilespmem:v5+s5+$0x0], $0xffff  }
0x25d: {  	s29 =	sshra.s32 s25, $0x2;
	s25 =	smov.u32 s28;
	v6 =	vld.idx.msk [tilespmem:v6+s5+$0x0], $0xffff  }
0x25e: {  	v7 =	vld.idx.msk [tilespmem:v7+s5+$0x0], $0xffff;
	[tilespmem:s29+$0x1C770] =	vst v1  }
0x25f: {  	[tilespmem:s29+$0x1C700] =	vst v0  }
0x260: {  	[tilespmem:s29+$0x1C710] =	vst v2  }
0x261: {  	[tilespmem:s29+$0x1C720] =	vst v3  }
0x262: {  	[tilespmem:s29+$0x1C730] =	vst v4  }
.Ltmp6:
0x263: {  	[tilespmem:s29+$0x1C740] =	vst v5;
	(pc) =	sbr.rel @p0 .LBB2_15-.Ltmp6, $4  }
0x264: {  	[tilespmem:s29+$0x1C750] =	vst v6  }
0x265: {  	s26 =	sadd.s32 $0x80, s26;
	[tilespmem:s29+$0x1C760] =	vst v7  }
0x266: {  	v0 =	vld [tilespmem:s26+$0xFFFFFF90]  }
0x267: {  	s28 =	sadd.s32 $0x400, s28;
	v1 =	vld [tilespmem:s26+$0x0]  }
0x268: {  	_ = 	snop  }
0x269: {  	v2 =	vld [tilespmem:s26+$0xFFFFFFA0]  }
0x26a: {  	v3 =	vld [tilespmem:s26+$0xFFFFFFB0]  }
0x26b: {  	v4 =	vld [tilespmem:s26+$0xFFFFFFC0]  }
0x26c: {  	v5 =	vld [tilespmem:s26+$0xFFFFFFD0]  }
0x26d: {  	v6 =	vld [tilespmem:s26+$0xFFFFFFE0]  }
0x26e: {  	v7 =	vld [tilespmem:s26+$0xFFFFFFF0]  }
0x26f: {  	v0 =	vld.idx.msk [tilespmem:v0+s5+$0x0], $0xffff  }
0x270: {  	v1 =	vld.idx.msk [tilespmem:v1+s5+$0x0], $0xffff  }
0x271: {  	v2 =	vld.idx.msk [tilespmem:v2+s5+$0x0], $0xffff  }
0x272: {  	v3 =	vld.idx.msk [tilespmem:v3+s5+$0x0], $0xffff  }
0x273: {  	v4 =	vld.idx.msk [tilespmem:v4+s5+$0x0], $0xffff  }
0x274: {  	v5 =	vld.idx.msk [tilespmem:v5+s5+$0x0], $0xffff  }
0x275: {  	s25 =	sshra.s32 s25, $0x2;
	v6 =	vld.idx.msk [tilespmem:v6+s5+$0x0], $0xffff  }
0x276: {  	v7 =	vld.idx.msk [tilespmem:v7+s5+$0x0], $0xffff;
	[tilespmem:s25+$0x1C700] =	vst v0  }
0x277: {  	[tilespmem:s25+$0x1C770] =	vst v1  }
0x278: {  	[tilespmem:s25+$0x1C710] =	vst v2  }
0x279: {  	[tilespmem:s25+$0x1C720] =	vst v3  }
0x27a: {  	[tilespmem:s25+$0x1C730] =	vst v4  }
0x27b: {  	[tilespmem:s25+$0x1C740] =	vst v5  }
0x27c: {  	s26 =	rddreg [dreg:$0xa];
	[tilespmem:s25+$0x1C750] =	vst v6  }
0x27d: {  	s28 =	simm.s32 $0x1C700;
	s24 =	sadd.s32 s24, s26;
	[tilespmem:s25+$0x1C760] =	vst v7;
	s25 =	simm.s32 $0x0  }
0x27e: {  	[hbm4b:s24+s25] =	stream.linear.scatter [tilespmem:s28], [sflag:$0x1], $0x80, $0x38;
	[tilespmem:$0x1D700] =	vst v63  }
0x27f: {  	s29 =	sadd.s32 $0x80, s24;
	s28 =	simm.s32 $0x1C800  }
0x280: {  	[hbm4b:s29+s25] =	stream.linear.scatter [tilespmem:s28], [sflag:$0x1], $0x80, $0x38;
	[tilespmem:$0x1D700] =	vst v63  }
0x281: {  	s26 =	sadd.s32 $0x100, s24;
	s29 =	simm.s32 $0x1C900  }
0x282: {  	[hbm4b:s26+s25] =	stream.linear.scatter [tilespmem:s29], [sflag:$0x1], $0x80, $0x38;
	[tilespmem:$0x1D700] =	vst v63  }
0x283: {  	s26 =	sadd.s32 $0x180, s24;
	s29 =	simm.s32 $0x1CA00  }
0x284: {  	[hbm4b:s26+s25] =	stream.linear.scatter [tilespmem:s29], [sflag:$0x1], $0x80, $0x38;
	[tilespmem:$0x1D700] =	vst v63  }
0x285: {  	s26 =	sadd.s32 $0x200, s24;
	s29 =	simm.s32 $0x1CB00  }
0x286: {  	[hbm4b:s26+s25] =	stream.linear.scatter [tilespmem:s29], [sflag:$0x1], $0x80, $0x38;
	[tilespmem:$0x1D700] =	vst v63  }
0x287: {  	s26 =	sadd.s32 $0x280, s24;
	s29 =	simm.s32 $0x1CC00  }
0x288: {  	[hbm4b:s26+s25] =	stream.linear.scatter [tilespmem:s29], [sflag:$0x1], $0x80, $0x38;
	[tilespmem:$0x1D700] =	vst v63  }
0x289: {  	s26 =	sadd.s32 $0x300, s24;
	s29 =	simm.s32 $0x1CD00  }
0x28a: {  	[hbm4b:s26+s25] =	stream.linear.scatter [tilespmem:s29], [sflag:$0x1], $0x80, $0x38;
	[tilespmem:$0x1D700] =	vst v63  }
0x28b: {  	s26 =	sadd.s32 $0x380, s24;
	s29 =	simm.s32 $0x1CE00  }
0x28c: {  	[hbm4b:s26+s25] =	stream.linear.scatter [tilespmem:s29], [sflag:$0x1], $0x80, $0x38;
	[tilespmem:$0x1D700] =	vst v63  }
0x28d: {  	s26 =	sadd.s32 $0x400, s24;
	s29 =	simm.s32 $0x1CF00  }
0x28e: {  	[hbm4b:s26+s25] =	stream.linear.scatter [tilespmem:s29], [sflag:$0x1], $0x80, $0x38;
	[tilespmem:$0x1D700] =	vst v63  }
0x28f: {  	s26 =	sadd.s32 $0x480, s24;
	s29 =	simm.s32 $0x1D000  }
0x290: {  	[hbm4b:s26+s25] =	stream.linear.scatter [tilespmem:s29], [sflag:$0x1], $0x80, $0x38;
	[tilespmem:$0x1D700] =	vst v63  }
0x291: {  	s26 =	sadd.s32 $0x500, s24;
	s29 =	simm.s32 $0x1D100  }
0x292: {  	[hbm4b:s26+s25] =	stream.linear.scatter [tilespmem:s29], [sflag:$0x1], $0x80, $0x38;
	[tilespmem:$0x1D700] =	vst v63  }
0x293: {  	s26 =	sadd.s32 $0x580, s24;
	s29 =	simm.s32 $0x1D200  }
0x294: {  	[hbm4b:s26+s25] =	stream.linear.scatter [tilespmem:s29], [sflag:$0x1], $0x80, $0x38;
	[tilespmem:$0x1D700] =	vst v63  }
0x295: {  	s26 =	sadd.s32 $0x600, s24;
	s29 =	simm.s32 $0x1D300  }
0x296: {  	[hbm4b:s26+s25] =	stream.linear.scatter [tilespmem:s29], [sflag:$0x1], $0x80, $0x38;
	[tilespmem:$0x1D700] =	vst v63  }
0x297: {  	s29 =	sadd.s32 $0x680, s24  }
0x298: {  	[hbm4b:s29+s25] =	stream.linear.scatter [tilespmem:s31], [sflag:$0x1], $0x80, $0x38;
	[tilespmem:$0x1D700] =	vst v63  }
0x299: {  	s28 =	sadd.s32 $0x700, s24  }
0x29a: {  	[hbm4b:s28+s25] =	stream.linear.scatter [tilespmem:s0], [sflag:$0x1], $0x80, $0x38;
	[tilespmem:$0x1D700] =	vst v63  }
0x29b: {  	s24 =	sadd.s32 $0x780, s24  }
0x29c: {  	[hbm4b:s24+s25] =	stream.linear.scatter [tilespmem:s4], [sflag:$0x1], $0x80, $0x38;
	[tilespmem:$0x1D700] =	vst v63  }
0x29d: {  	_ =	swait.ge [sflag:s19], $0x800  }
0x29e: {  	[sflag:s19] =	ssyncset.done $0x0  }
0x29f: {  	s29 =	simm.s32 $0x0;
	[sflag:s19] =	ssyncadd.s32 $0xFFFFF800  }
0x2a0: {  	v0 =	vld [tilespmem:s29+$0x1BF00]  }
0x2a1: {  	v1 =	vld [tilespmem:s29+$0x1BF70]  }
0x2a2: {  	v2 =	vld [tilespmem:s29+$0x1BF10]  }
0x2a3: {  	v3 =	vld [tilespmem:s29+$0x1BF20]  }
0x2a4: {  	v60 =	vld [tilespmem:s29+$0x1BF30]  }
0x2a5: {  	v61 =	vld [tilespmem:s29+$0x1BF40]  }
0x2a6: {  	v62 =	vld [tilespmem:s29+$0x1BF50]  }
0x2a7: {  	v63 =	vld [tilespmem:s29+$0x1BF60]  }
0x2a8: {  	v0 =	vld.idx.msk [tilespmem:v0+s5+$0x0], $0xffff  }
0x2a9: {  	v1 =	vld.idx.msk [tilespmem:v1+s5+$0x0], $0xffff  }
0x2aa: {  	v2 =	vld.idx.msk [tilespmem:v2+s5+$0x0], $0xffff  }
0x2ab: {  	v3 =	vld.idx.msk [tilespmem:v3+s5+$0x0], $0xffff  }
0x2ac: {  	v4 =	vld.idx.msk [tilespmem:v60+s5+$0x0], $0xffff  }
0x2ad: {  	v5 =	vld.idx.msk [tilespmem:v61+s5+$0x0], $0xffff  }
0x2ae: {  	s24 =	simm.s32 $0x1C7F0;
	v6 =	vld.idx.msk [tilespmem:v62+s5+$0x0], $0xffff  }
0x2af: {  	v7 =	vld.idx.msk [tilespmem:v63+s5+$0x0], $0xffff;
	[tilespmem:s24+$0x0] =	vst v1  }
0x2b0: {  	[tilespmem:s24+$0xFFFFFF90] =	vst v0  }
0x2b1: {  	[tilespmem:s24+$0xFFFFFFA0] =	vst v2  }
0x2b2: {  	[tilespmem:s24+$0xFFFFFFB0] =	vst v3  }
0x2b3: {  	[tilespmem:s24+$0xFFFFFFC0] =	vst v4  }
0x2b4: {  	[tilespmem:s24+$0xFFFFFFD0] =	vst v5  }
0x2b5: {  	[tilespmem:s24+$0xFFFFFFE0] =	vst v6  }
0x2b6: {  	s26 =	simm.s32 $0x80;
	[tilespmem:s24+$0xFFFFFFF0] =	vst v7  }
0x2b7: {  	s25 =	simm.s32 $0x400;
	v0 =	vld [tilespmem:s26+$0x1BF00]  }
.LBB2_17:
0x2b8: {  	p0 =	sne.s32 s25, $0x1E00;
	v1 =	vld [tilespmem:s26+$0x1BF70]  }
0x2b9: {  	v2 =	vld [tilespmem:s26+$0x1BF10]  }
0x2ba: {  	v3 =	vld [tilespmem:s26+$0x1BF20]  }
0x2bb: {  	v4 =	vld [tilespmem:s26+$0x1BF30]  }
0x2bc: {  	v5 =	vld [tilespmem:s26+$0x1BF40]  }
0x2bd: {  	v6 =	vld [tilespmem:s26+$0x1BF50]  }
0x2be: {  	v7 =	vld [tilespmem:s26+$0x1BF60]  }
0x2bf: {  	v0 =	vld.idx.msk [tilespmem:v0+s5+$0x0], $0xffff  }
0x2c0: {  	v1 =	vld.idx.msk [tilespmem:v1+s5+$0x0], $0xffff  }
0x2c1: {  	v2 =	vld.idx.msk [tilespmem:v2+s5+$0x0], $0xffff  }
0x2c2: {  	v3 =	vld.idx.msk [tilespmem:v3+s5+$0x0], $0xffff  }
0x2c3: {  	v4 =	vld.idx.msk [tilespmem:v4+s5+$0x0], $0xffff  }
0x2c4: {  	v5 =	vld.idx.msk [tilespmem:v5+s5+$0x0], $0xffff  }
0x2c5: {  	s24 =	sadd.s32 $0x100, s24;
	v6 =	vld.idx.msk [tilespmem:v6+s5+$0x0], $0xffff  }
0x2c6: {  	v7 =	vld.idx.msk [tilespmem:v7+s5+$0x0], $0xffff;
	[tilespmem:s24+$0x0] =	vst v1  }
0x2c7: {  	[tilespmem:s24+$0xFFFFFF90] =	vst v0  }
0x2c8: {  	[tilespmem:s24+$0xFFFFFFA0] =	vst v2  }
0x2c9: {  	[tilespmem:s24+$0xFFFFFFB0] =	vst v3  }
.Ltmp7:
0x2ca: {  	[tilespmem:s24+$0xFFFFFFC0] =	vst v4;
	(pc) =	sbr.rel @p0 .LBB2_17-.Ltmp7, $4  }
0x2cb: {  	[tilespmem:s24+$0xFFFFFFD0] =	vst v5  }
0x2cc: {  	[tilespmem:s24+$0xFFFFFFE0] =	vst v6  }
0x2cd: {  	s26 =	sshra.s32 s25, $0x2;
	[tilespmem:s24+$0xFFFFFFF0] =	vst v7  }
0x2ce: {  	s25 =	sadd.s32 $0x200, s25;
	v0 =	vld [tilespmem:s26+$0x1BF00]  }
0x2cf: {  	_ = 	snop  }
0x2d0: {  	v1 =	vld [tilespmem:s26+$0x1BF70]  }
0x2d1: {  	v2 =	vld [tilespmem:s26+$0x1BF10]  }
0x2d2: {  	v3 =	vld [tilespmem:s26+$0x1BF20]  }
0x2d3: {  	v4 =	vld [tilespmem:s26+$0x1BF30]  }
0x2d4: {  	v5 =	vld [tilespmem:s26+$0x1BF40]  }
0x2d5: {  	v6 =	vld [tilespmem:s26+$0x1BF50]  }
0x2d6: {  	v7 =	vld [tilespmem:s26+$0x1BF60]  }
0x2d7: {  	v0 =	vld.idx.msk [tilespmem:v0+s5+$0x0], $0xffff  }
0x2d8: {  	v1 =	vld.idx.msk [tilespmem:v1+s5+$0x0], $0xffff  }
0x2d9: {  	v2 =	vld.idx.msk [tilespmem:v2+s5+$0x0], $0xffff  }
0x2da: {  	v3 =	vld.idx.msk [tilespmem:v3+s5+$0x0], $0xffff  }
0x2db: {  	v4 =	vld.idx.msk [tilespmem:v4+s5+$0x0], $0xffff  }
0x2dc: {  	v5 =	vld.idx.msk [tilespmem:v5+s5+$0x0], $0xffff  }
0x2dd: {  	s24 =	sadd.s32 $0x100, s24;
	v6 =	vld.idx.msk [tilespmem:v6+s5+$0x0], $0xffff  }
0x2de: {  	v7 =	vld.idx.msk [tilespmem:v7+s5+$0x0], $0xffff;
	[tilespmem:s24+$0xFFFFFF90] =	vst v0  }
0x2df: {  	[tilespmem:s24+$0x0] =	vst v1  }
0x2e0: {  	[tilespmem:s24+$0xFFFFFFA0] =	vst v2  }
0x2e1: {  	[tilespmem:s24+$0xFFFFFFB0] =	vst v3  }
0x2e2: {  	s22 =	sor.u32 s23, s22;
	[tilespmem:s24+$0xFFFFFFC0] =	vst v4  }
0x2e3: {  	s22 =	sshrl.u32 s22, $0x3;
	[tilespmem:s24+$0xFFFFFFD0] =	vst v5  }
0x2e4: {  	s22 =	sor.u32 $0x3800, s22;
	[tilespmem:s24+$0xFFFFFFE0] =	vst v6  }
0x2e5: {  	s22 =	sadd.s32 s30, s22;
	[tilespmem:s24+$0xFFFFFFF0] =	vst v7  }
0x2e6: {  	[hbm4b:s22+s5] =	stream.linear.scatter [tilespmem:s13], [sflag:$0x1], $0x80, $0x38;
	[tilespmem:$0x1D700] =	vst v63  }
0x2e7: {  	s25 =	sadd.s32 $0x80, s22  }
0x2e8: {  	[hbm4b:s25+s5] =	stream.linear.scatter [tilespmem:s1], [sflag:$0x1], $0x80, $0x38;
	[tilespmem:$0x1D700] =	vst v63  }
0x2e9: {  	s26 =	sadd.s32 $0x100, s22  }
0x2ea: {  	[hbm4b:s26+s5] =	stream.linear.scatter [tilespmem:s2], [sflag:$0x1], $0x80, $0x38;
	[tilespmem:$0x1D700] =	vst v63  }
0x2eb: {  	s28 =	sadd.s32 $0x180, s22  }
0x2ec: {  	[hbm4b:s28+s5] =	stream.linear.scatter [tilespmem:s14], [sflag:$0x1], $0x80, $0x38;
	[tilespmem:$0x1D700] =	vst v63  }
0x2ed: {  	s29 =	smov.u32 s30;
	s30 =	sadd.s32 $0x200, s22  }
0x2ee: {  	[hbm4b:s30+s5] =	stream.linear.scatter [tilespmem:s15], [sflag:$0x1], $0x80, $0x38;
	[tilespmem:$0x1D700] =	vst v63  }
0x2ef: {  	s24 =	sadd.s32 $0x280, s22  }
0x2f0: {  	[hbm4b:s24+s5] =	stream.linear.scatter [tilespmem:s3], [sflag:$0x1], $0x80, $0x38;
	[tilespmem:$0x1D700] =	vst v63  }
0x2f1: {  	s25 =	sadd.s32 $0x300, s22  }
0x2f2: {  	[hbm4b:s25+s5] =	stream.linear.scatter [tilespmem:s6], [sflag:$0x1], $0x80, $0x38;
	[tilespmem:$0x1D700] =	vst v63  }
0x2f3: {  	s26 =	sadd.s32 $0x380, s22  }
0x2f4: {  	[hbm4b:s26+s5] =	stream.linear.scatter [tilespmem:s7], [sflag:$0x1], $0x80, $0x38;
	[tilespmem:$0x1D700] =	vst v63  }
0x2f5: {  	s28 =	sadd.s32 $0x400, s22  }
0x2f6: {  	[hbm4b:s28+s5] =	stream.linear.scatter [tilespmem:s8], [sflag:$0x1], $0x80, $0x38;
	[tilespmem:$0x1D700] =	vst v63  }
0x2f7: {  	s30 =	sadd.s32 $0x480, s22  }
0x2f8: {  	[hbm4b:s30+s5] =	stream.linear.scatter [tilespmem:s9], [sflag:$0x1], $0x80, $0x38;
	[tilespmem:$0x1D700] =	vst v63  }
0x2f9: {  	s24 =	sadd.s32 $0x500, s22  }
0x2fa: {  	[hbm4b:s24+s5] =	stream.linear.scatter [tilespmem:s10], [sflag:$0x1], $0x80, $0x38;
	[tilespmem:$0x1D700] =	vst v63  }
0x2fb: {  	s25 =	sadd.s32 $0x580, s22  }
0x2fc: {  	[hbm4b:s25+s5] =	stream.linear.scatter [tilespmem:s11], [sflag:$0x1], $0x80, $0x38;
	[tilespmem:$0x1D700] =	vst v63  }
0x2fd: {  	s26 =	sadd.s32 $0x600, s22  }
0x2fe: {  	[hbm4b:s26+s5] =	stream.linear.scatter [tilespmem:s12], [sflag:$0x1], $0x80, $0x38;
	[tilespmem:$0x1D700] =	vst v63  }
0x2ff: {  	s28 =	sadd.s32 $0x680, s22  }
0x300: {  	[hbm4b:s28+s5] =	stream.linear.scatter [tilespmem:s16], [sflag:$0x1], $0x80, $0x38;
	[tilespmem:$0x1D700] =	vst v63  }
0x301: {  	s30 =	sadd.s32 $0x700, s22  }
0x302: {  	[hbm4b:s30+s5] =	stream.linear.scatter [tilespmem:s17], [sflag:$0x1], $0x80, $0x38;
	[tilespmem:$0x1D700] =	vst v63  }
0x303: {  	s20 =	sadd.s32 $0x1, s20;
	s22 =	sadd.s32 $0x780, s22  }
0x304: {  	[hbm4b:s22+s5] =	stream.linear.scatter [tilespmem:s18], [sflag:$0x1], $0x80, $0x38;
	[tilespmem:$0x1D700] =	vst v63  }
0x305: {  	p0 =	sne.s32 s20, $0xD;
	_ =	swait.ge [sflag:s19], $0x800  }
.Ltmp8:
0x306: {  	[sflag:s19] =	ssyncset.done $0x0;
	(pc) =	sbr.rel @p0 .LBB2_2-.Ltmp8, $4  }
0x307: {  	[sflag:s19] =	ssyncadd.s32 $0xFFFFF800  }
0x308: {  	_ =	swait.ge [sflag:s19], $0x800  }
0x309: {  	[sflag:s19] =	ssyncset.done $0x0  }
0x30a: {  	[sflag:s19] =	ssyncadd.s32 $0xFFFFF800  }
0x30b: {  	s21 =	rddreg [dreg:$0xc]  }
0x30c: {  	s20 =	rddreg [dreg:$0xb];
	s21 =	sadd.s32 $0x1, s21  }
0x30d: {  	p0 =	sne.s32 s21, s20  }
.Ltmp9:
0x30e: {  	_ = 	snop;
	(pc) =	sbr.rel @p0 .LBB2_1-.Ltmp9, $1  }
0x30f: {  	_ =	sdelay $0x3  }
0x310: {  	_ =	sfence.sel $0x180000  }
0x311: {  	[bflag:$0x0] =	sbarrier.arrive $0xFFFF  }
0x312: {  	_ =	strace $0x90000047  }
0x313: {  	s0 =	stileid.u32;
	[bflag:$0x2] =	sbarrier.arrive $0xFFFF  }
0x314: {  	p0 =	sne.s32 s0, $0x0;
	s0 =	rddreg [dreg:$0x3]  }
0x315: {  	s0 =	sadd.s32 @!p0 $0x100000, s0  }
0x316: {  	[sflag:s0] =	ssyncadd.tile.s32 @!p0 $0x1;
	_ =	shalt  }
.Lfunc_end2:
_tile_overlayer_lowered:
.L_overlay_start_2:
0x317: {  	(tag) =	ssettag $0x2  }
0x318: {  	s0 =	rddreg [dreg:$0x0];
	s2 =	stileid.u32  }
0x319: {  	s1 =	rddreg [dreg:$0x1];
	p0 =	sne.s32 s2, $0x0  }
0x31a: {  	s3 =	rddreg [dreg:$0x2];
	[bflag:$0x3] =	sbarrier.arrive $0xFFFF;
	s2 =	simm.s32 @!p0 $0x1C02  }
0x31b: {  	[timem:s3], [sflag:s2] =	dma.local @!p0 [hbm:s0], s1  }
0x31c: {  	s0 =	simm.s32 @!p0 $0x2  }
0x31d: {  	_ =	swait.ge @!p0 [sflag:s0], s1  }
0x31e: {  	s1 =	ssub.s32 @!p0 $0x0, s1;
	[sflag:s0] =	ssyncset.done @!p0 $0x0  }
0x31f: {  	[sflag:s0] =	ssyncadd.s32 @!p0 s1  }
0x320: {  	[bflag:$0x3] =	sbarrier.arrive $0xFFFF  }
0x321: {  	_ =	shalt  }

</sc_bundles>
